<compile_context>
chip_gen: v7x
topology: tpu7x:2x2x1
jax: 0.10.2.dev20260603
libtpu: 0.0.44.dev20260713+nightly
codegen_flags: <defaults>
</compile_context>

<pallas_src>
import functools

import jax
import jax.numpy as jnp
from jax import lax
from jax.experimental import pallas as pl
from jax.experimental.pallas import tpu as pltpu
from jax.experimental.pallas import tpu_sc as plsc

B, S, D = 4096, 200, 128
V = 5000
TOT = B * S
NC, NS = 2, 16
NW = NC * NS
PER_W = TOT // NW
SUP = 128
NSUP = PER_W // SUP
R = 5
G = 3
W = 2
NSTEP = NSUP // R

_mesh = plsc.VectorSubcoreMesh(core_axis_name="c", subcore_axis_name="s")


@functools.partial(
    pl.kernel,
    out_type=jax.ShapeDtypeStruct((TOT, D), jnp.float32),
    mesh=_mesh,
    scratch_types=[
        pltpu.VMEM_SHARED((V, D), jnp.float32),
    ] + [pltpu.VMEM((SUP, D), jnp.float32) for _ in range(R)]
      + [pltpu.VMEM((SUP,), jnp.int32) for _ in range(R)]
      + [pltpu.SemaphoreType.DMA for _ in range(3 * R)],
)
def _pe_gather(doy_hbm, pe_hbm, out_hbm, pe_sp,
               r0, r1, r2, r3, r4, i0, i1, i2, i3, i4,
               g0, g1, g2, g3, g4, w0, w1, w2, w3, w4,
               s0, s1, s2, s3, s4):
    rows = (r0, r1, r2, r3, r4)
    idxb = (i0, i1, i2, i3, i4)
    gsem = (g0, g1, g2, g3, g4)
    wsem = (w0, w1, w2, w3, w4)
    isem = (s0, s1, s2, s3, s4)
    sid = lax.axis_index("s")
    wid = sid * NC + lax.axis_index("c")
    base = wid * PER_W

    def load_idx(b, s):
        pltpu.async_copy(doy_hbm.at[pl.ds(base + s * SUP, SUP)], idxb[b],
                         isem[b])

    def wait_idx(b):
        pltpu.make_async_copy(doy_hbm.at[pl.ds(0, SUP)], idxb[b],
                              isem[b]).wait()

    def fire(b, s):
        pltpu.async_copy(pe_sp.at[idxb[b]], rows[b], gsem[b])

    def drain_gather(b):
        pltpu.make_async_copy(out_hbm.at[pl.ds(0, SUP)], rows[b],
                              gsem[b]).wait()

    def drain_write(b):
        pltpu.make_async_copy(rows[b], out_hbm.at[pl.ds(0, SUP)],
                              wsem[b]).wait()

    for b in range(R):
        load_idx(b, b)

    @pl.when(sid < 8)
    def _():
        pltpu.sync_copy(pe_hbm.at[pl.ds(sid * 624, 624)],
                        pe_sp.at[pl.ds(sid * 624, 624)])

    @pl.when(sid == 8)
    def _():
        pltpu.sync_copy(pe_hbm.at[pl.ds(4992, 8)], pe_sp.at[pl.ds(4992, 8)])

    plsc.subcore_barrier()

    for b in range(G):
        wait_idx(b)
        fire(b, b)

    def step(i, carry):
        base_s = R * i
        for b in range(R):
            s = base_s + b
            drain_gather(b)
            pltpu.async_copy(rows[b], out_hbm.at[pl.ds(base + s * SUP, SUP)],
                             wsem[b])

            @pl.when(s + R < NSUP)
            def _():
                load_idx(b, s + R)

            bn = (b + G) % R

            @pl.when(s >= W)
            def _():
                drain_write(bn)

            @pl.when(s + G < NSUP)
            def _():
                wait_idx(bn)
                fire(bn, s + G)
        return carry

    lax.fori_loop(0, NSTEP, step, 0)

    for k in range(W):
        drain_write((NSUP - W + k) % R)


def kernel(doy, pe):
    flat = _pe_gather(doy.reshape(TOT).astype(jnp.int32), pe)
    return flat.reshape(B, S, D)

# --- scband reference (transcript-rebuilt; emitter-appended) ---
"""Pipeline reference for scband-positional-encoding-53034256171544 (READ-ONLY COPY).

The authoritative reference and input builder live on the scoring server;
editing this copy changes nothing except your own understanding.
"""

import jax, jax.numpy as jnp
import numpy as np
import math

D_MODEL = 128
MAX_LEN = 5000

def _build_pe():
    position = jnp.arange(0, MAX_LEN, dtype=jnp.float32)[:, None]
    div_term = jnp.exp(jnp.arange(0, D_MODEL, 2).astype(jnp.float32) * (-math.log(10000.0) / D_MODEL))
    pe = jnp.zeros((MAX_LEN, D_MODEL), dtype=jnp.float32)
    pe = pe.at[:, 0::2].set(jnp.sin(position * div_term))
    pe = pe.at[:, 1::2].set(jnp.cos(position * div_term))
    return pe

def setup_inputs(seed: int = 0) -> dict:
    key = jax.random.key(seed)
    doy = jax.random.randint(key, (4096, 200), 0, MAX_LEN, dtype=jnp.int64 if jax.config.jax_enable_x64 else jnp.int32)
    pe = _build_pe()
    return {"doy": doy, "pe": pe}

def reference(doy, pe):
    # PositionalEncoding.forward: return self.pe[doy, :]
    return jnp.take(pe, doy, axis=0)

if __name__ == "__main__":
    import jax
    _d = setup_inputs()
    print(jax.jit(kernel)(*tuple(_d.values())))

</pallas_src>

<mosaic_0001>
#map = affine_map<(d0, d1) -> (0)>
#map1 = affine_map<(d0, d1) -> (0, 0)>
module attributes {stable_mosaic.version = 14 : i64} {
  func.func @_pe_gather(%arg0: i32, %arg1: i32, %arg2: memref<819200xi32, #tpu.memory_space<hbm>>, %arg3: memref<5000x128xf32, #tpu.memory_space<hbm>>, %arg4: memref<819200x128xf32, #tpu.memory_space<hbm>>, %arg5: memref<5000x128xf32, #tpu.memory_space<vmem_shared>>, %arg6: memref<128x128xf32, #tpu.memory_space<vmem>>, %arg7: memref<128x128xf32, #tpu.memory_space<vmem>>, %arg8: memref<128x128xf32, #tpu.memory_space<vmem>>, %arg9: memref<128x128xf32, #tpu.memory_space<vmem>>, %arg10: memref<128x128xf32, #tpu.memory_space<vmem>>, %arg11: memref<128xi32, #tpu.memory_space<vmem>>, %arg12: memref<128xi32, #tpu.memory_space<vmem>>, %arg13: memref<128xi32, #tpu.memory_space<vmem>>, %arg14: memref<128xi32, #tpu.memory_space<vmem>>, %arg15: memref<128xi32, #tpu.memory_space<vmem>>, %arg16: memref<!tpu.dma_semaphore, #tpu.memory_space<semaphore_mem>>, %arg17: memref<!tpu.dma_semaphore, #tpu.memory_space<semaphore_mem>>, %arg18: memref<!tpu.dma_semaphore, #tpu.memory_space<semaphore_mem>>, %arg19: memref<!tpu.dma_semaphore, #tpu.memory_space<semaphore_mem>>, %arg20: memref<!tpu.dma_semaphore, #tpu.memory_space<semaphore_mem>>, %arg21: memref<!tpu.dma_semaphore, #tpu.memory_space<semaphore_mem>>, %arg22: memref<!tpu.dma_semaphore, #tpu.memory_space<semaphore_mem>>, %arg23: memref<!tpu.dma_semaphore, #tpu.memory_space<semaphore_mem>>, %arg24: memref<!tpu.dma_semaphore, #tpu.memory_space<semaphore_mem>>, %arg25: memref<!tpu.dma_semaphore, #tpu.memory_space<semaphore_mem>>, %arg26: memref<!tpu.dma_semaphore, #tpu.memory_space<semaphore_mem>>, %arg27: memref<!tpu.dma_semaphore, #tpu.memory_space<semaphore_mem>>, %arg28: memref<!tpu.dma_semaphore, #tpu.memory_space<semaphore_mem>>, %arg29: memref<!tpu.dma_semaphore, #tpu.memory_space<semaphore_mem>>, %arg30: memref<!tpu.dma_semaphore, #tpu.memory_space<semaphore_mem>>) attributes {dimension_semantics = [#tpu.dimension_semantics<core_parallel>, #tpu.dimension_semantics<subcore_parallel>], iteration_bounds = array<i64: 2, 16>, scalar_prefetch = 0 : i64, scratch_operands = 26 : i64, tpu.core_type = #tpu.core_type<sc_vector_subcore>, window_params = [{transform_indices = #map}, {transform_indices = #map1}, {transform_indices = #map1}]} {
    %mul3A = arith.constant 2 : i32
    %mul3A_0 = arith.muli %arg1, %mul3A : i32
    %add3A = arith.addi %mul3A_0, %arg0 : i32
    %mul3A_1 = arith.constant 25600 : i32
    %mul3A_2 = arith.muli %add3A, %mul3A_1 : i32
    %add3A_3 = arith.constant 0 : i32
    %add3A_4 = arith.addi %mul3A_2, %add3A_3 : i32
    %dma_start3A = tpu.memref_slice %arg2[%add3A_4] : memref<819200xi32, #tpu.memory_space<hbm>> -> memref<128xi32, #tpu.memory_space<hbm>>
    %dma_start3A_5 = tpu.memref_slice %arg2[%add3A_4] : memref<819200xi32, #tpu.memory_space<hbm>> -> memref<128xi32, #tpu.memory_space<hbm>>
    tpu.enqueue_dma source(%dma_start3A_5 : memref<128xi32, #tpu.memory_space<hbm>>) target(%arg11 : memref<128xi32, #tpu.memory_space<vmem>>) target_semaphore(%arg26 : memref<!tpu.dma_semaphore, #tpu.memory_space<semaphore_mem>>)
    %add3A_6 = arith.constant 128 : i32
    %add3A_7 = arith.addi %mul3A_2, %add3A_6 : i32
    %dma_start3A_8 = tpu.memref_slice %arg2[%add3A_7] : memref<819200xi32, #tpu.memory_space<hbm>> -> memref<128xi32, #tpu.memory_space<hbm>>
    %dma_start3A_9 = tpu.memref_slice %arg2[%add3A_7] : memref<819200xi32, #tpu.memory_space<hbm>> -> memref<128xi32, #tpu.memory_space<hbm>>
    tpu.enqueue_dma source(%dma_start3A_9 : memref<128xi32, #tpu.memory_space<hbm>>) target(%arg12 : memref<128xi32, #tpu.memory_space<vmem>>) target_semaphore(%arg27 : memref<!tpu.dma_semaphore, #tpu.memory_space<semaphore_mem>>)
    %add3A_10 = arith.constant 256 : i32
    %add3A_11 = arith.addi %mul3A_2, %add3A_10 : i32
    %dma_start3A_12 = tpu.memref_slice %arg2[%add3A_11] : memref<819200xi32, #tpu.memory_space<hbm>> -> memref<128xi32, #tpu.memory_space<hbm>>
    %dma_start3A_13 = tpu.memref_slice %arg2[%add3A_11] : memref<819200xi32, #tpu.memory_space<hbm>> -> memref<128xi32, #tpu.memory_space<hbm>>
    tpu.enqueue_dma source(%dma_start3A_13 : memref<128xi32, #tpu.memory_space<hbm>>) target(%arg13 : memref<128xi32, #tpu.memory_space<vmem>>) target_semaphore(%arg28 : memref<!tpu.dma_semaphore, #tpu.memory_space<semaphore_mem>>)
    %add3A_14 = arith.constant 384 : i32
    %add3A_15 = arith.addi %mul3A_2, %add3A_14 : i32
    %dma_start3A_16 = tpu.memref_slice %arg2[%add3A_15] : memref<819200xi32, #tpu.memory_space<hbm>> -> memref<128xi32, #tpu.memory_space<hbm>>
    %dma_start3A_17 = tpu.memref_slice %arg2[%add3A_15] : memref<819200xi32, #tpu.memory_space<hbm>> -> memref<128xi32, #tpu.memory_space<hbm>>
    tpu.enqueue_dma source(%dma_start3A_17 : memref<128xi32, #tpu.memory_space<hbm>>) target(%arg14 : memref<128xi32, #tpu.memory_space<vmem>>) target_semaphore(%arg29 : memref<!tpu.dma_semaphore, #tpu.memory_space<semaphore_mem>>)
    %add3A_18 = arith.constant 512 : i32
    %add3A_19 = arith.addi %mul3A_2, %add3A_18 : i32
    %dma_start3A_20 = tpu.memref_slice %arg2[%add3A_19] : memref<819200xi32, #tpu.memory_space<hbm>> -> memref<128xi32, #tpu.memory_space<hbm>>
    %dma_start3A_21 = tpu.memref_slice %arg2[%add3A_19] : memref<819200xi32, #tpu.memory_space<hbm>> -> memref<128xi32, #tpu.memory_space<hbm>>
    tpu.enqueue_dma source(%dma_start3A_21 : memref<128xi32, #tpu.memory_space<hbm>>) target(%arg15 : memref<128xi32, #tpu.memory_space<vmem>>) target_semaphore(%arg30 : memref<!tpu.dma_semaphore, #tpu.memory_space<semaphore_mem>>)
    %lt3A = arith.constant 8 : i32
    %lt3A_22 = arith.cmpi slt, %arg1, %lt3A : i32
    %convert_element_type3A = arith.extui %lt3A_22 : i1 to i32
    %cond3A = arith.constant 0 : i32
    %cond3A_23 = arith.cmpi ne, %convert_element_type3A, %cond3A : i32
    scf.if %cond3A_23 {
      %mul3A_65 = arith.constant 624 : i32
      %mul3A_66 = arith.muli %arg1, %mul3A_65 : i32
      %mul3A_67 = arith.constant 624 : i32
      %mul3A_68 = arith.muli %arg1, %mul3A_67 : i32
      "tpu.region"() ({
        %run_scoped3A = tpu.sem_alloc : memref<!tpu.dma_semaphore, #tpu.memory_space<semaphore_mem>>
        %dma_start3A_69 = arith.constant 0 : i32
        %dma_start3A_70 = tpu.memref_slice %arg5[%mul3A_68, %dma_start3A_69] : memref<5000x128xf32, #tpu.memory_space<vmem_shared>> -> memref<624x128xf32, #tpu.memory_space<vmem_shared>>
        %dma_start3A_71 = arith.constant 0 : i32
        %dma_start3A_72 = tpu.memref_slice %arg3[%mul3A_66, %dma_start3A_71] : memref<5000x128xf32, #tpu.memory_space<hbm>> -> memref<624x128xf32, #tpu.memory_space<hbm>>
        tpu.enqueue_dma source(%dma_start3A_72 : memref<624x128xf32, #tpu.memory_space<hbm>>) target(%dma_start3A_70 : memref<624x128xf32, #tpu.memory_space<vmem_shared>>) target_semaphore(%run_scoped3A : memref<!tpu.dma_semaphore, #tpu.memory_space<semaphore_mem>>)
        %dma_wait3A_73 = arith.constant 0 : i32
        %dma_wait3A_74 = tpu.memref_slice %arg5[%mul3A_68, %dma_wait3A_73] : memref<5000x128xf32, #tpu.memory_space<vmem_shared>> -> memref<624x128xf32, #tpu.memory_space<vmem_shared>>
        %dma_wait3A_75 = arith.constant 0 : i32
        %dma_wait3A_76 = tpu.memref_slice %arg3[%mul3A_66, %dma_wait3A_75] : memref<5000x128xf32, #tpu.memory_space<hbm>> -> memref<624x128xf32, #tpu.memory_space<hbm>>
        tpu.wait_dma2 semaphore(%run_scoped3A : memref<!tpu.dma_semaphore, #tpu.memory_space<semaphore_mem>>) src(%dma_wait3A_76 : memref<624x128xf32, #tpu.memory_space<hbm>>) dst(%dma_wait3A_74 : memref<624x128xf32, #tpu.memory_space<vmem_shared>>)
        tpu.yield
      }) : () -> ()
    } else {
    }
    %eq3A = arith.constant 8 : i32
    %eq3A_24 = arith.cmpi eq, %arg1, %eq3A : i32
    %convert_element_type3A_25 = arith.extui %eq3A_24 : i1 to i32
    %cond3A_26 = arith.constant 0 : i32
    %cond3A_27 = arith.cmpi ne, %convert_element_type3A_25, %cond3A_26 : i32
    scf.if %cond3A_27 {
      "tpu.region"() ({
        %run_scoped3A = tpu.sem_alloc : memref<!tpu.dma_semaphore, #tpu.memory_space<semaphore_mem>>
        %dma_start3A_65 = arith.constant 4992 : i32
        %dma_start3A_66 = arith.constant 0 : i32
        %dma_start3A_67 = tpu.memref_slice %arg5[%dma_start3A_65, %dma_start3A_66] : memref<5000x128xf32, #tpu.memory_space<vmem_shared>> -> memref<8x128xf32, #tpu.memory_space<vmem_shared>>
        %dma_start3A_68 = arith.constant 4992 : i32
        %dma_start3A_69 = arith.constant 0 : i32
        %dma_start3A_70 = tpu.memref_slice %arg3[%dma_start3A_68, %dma_start3A_69] : memref<5000x128xf32, #tpu.memory_space<hbm>> -> memref<8x128xf32, #tpu.memory_space<hbm>>
        tpu.enqueue_dma source(%dma_start3A_70 : memref<8x128xf32, #tpu.memory_space<hbm>>) target(%dma_start3A_67 : memref<8x128xf32, #tpu.memory_space<vmem_shared>>) target_semaphore(%run_scoped3A : memref<!tpu.dma_semaphore, #tpu.memory_space<semaphore_mem>>)
        %dma_wait3A_71 = arith.constant 4992 : i32
        %dma_wait3A_72 = arith.constant 0 : i32
        %dma_wait3A_73 = tpu.memref_slice %arg5[%dma_wait3A_71, %dma_wait3A_72] : memref<5000x128xf32, #tpu.memory_space<vmem_shared>> -> memref<8x128xf32, #tpu.memory_space<vmem_shared>>
        %dma_wait3A_74 = arith.constant 4992 : i32
        %dma_wait3A_75 = arith.constant 0 : i32
        %dma_wait3A_76 = tpu.memref_slice %arg3[%dma_wait3A_74, %dma_wait3A_75] : memref<5000x128xf32, #tpu.memory_space<hbm>> -> memref<8x128xf32, #tpu.memory_space<hbm>>
        tpu.wait_dma2 semaphore(%run_scoped3A : memref<!tpu.dma_semaphore, #tpu.memory_space<semaphore_mem>>) src(%dma_wait3A_76 : memref<8x128xf32, #tpu.memory_space<hbm>>) dst(%dma_wait3A_73 : memref<8x128xf32, #tpu.memory_space<vmem_shared>>)
        tpu.yield
      }) : () -> ()
    } else {
    }
    %barrier3A = arith.constant 0 : index
    tpu.barrier barrier_id(%barrier3A)
    %dma_wait3A = arith.constant 0 : i32
    %dma_wait3A_28 = tpu.memref_slice %arg2[%dma_wait3A] : memref<819200xi32, #tpu.memory_space<hbm>> -> memref<128xi32, #tpu.memory_space<hbm>>
    %dma_wait3A_29 = arith.constant 0 : i32
    %dma_wait3A_30 = tpu.memref_slice %arg2[%dma_wait3A_29] : memref<819200xi32, #tpu.memory_space<hbm>> -> memref<128xi32, #tpu.memory_space<hbm>>
    tpu.wait_dma2 semaphore(%arg26 : memref<!tpu.dma_semaphore, #tpu.memory_space<semaphore_mem>>) src(%dma_wait3A_30 : memref<128xi32, #tpu.memory_space<hbm>>) dst(%arg11 : memref<128xi32, #tpu.memory_space<vmem>>)
    %dma_start3A_31 = arith.constant 0 : i32
    %dma_start3A_32 = arith.constant 0 : i32
    %dma_start3A_33 = tpu.memref_slice %arg5[%dma_start3A_31, %dma_start3A_32] : memref<5000x128xf32, #tpu.memory_space<vmem_shared>> -> memref<5000x128xf32, #tpu.memory_space<vmem_shared>>
    tpu.enqueue_indirect_dma source(%dma_start3A_33 : memref<5000x128xf32, #tpu.memory_space<vmem_shared>>) target(%arg6 : memref<128x128xf32, #tpu.memory_space<vmem>>) offsets(%arg11 : memref<128xi32, #tpu.memory_space<vmem>>) semaphore(%arg16 : memref<!tpu.dma_semaphore, #tpu.memory_space<semaphore_mem>>)
    %dma_wait3A_34 = arith.constant 0 : i32
    %dma_wait3A_35 = tpu.memref_slice %arg2[%dma_wait3A_34] : memref<819200xi32, #tpu.memory_space<hbm>> -> memref<128xi32, #tpu.memory_space<hbm>>
    %dma_wait3A_36 = arith.constant 0 : i32
    %dma_wait3A_37 = tpu.memref_slice %arg2[%dma_wait3A_36] : memref<819200xi32, #tpu.memory_space<hbm>> -> memref<128xi32, #tpu.memory_space<hbm>>
    tpu.wait_dma2 semaphore(%arg27 : memref<!tpu.dma_semaphore, #tpu.memory_space<semaphore_mem>>) src(%dma_wait3A_37 : memref<128xi32, #tpu.memory_space<hbm>>) dst(%arg12 : memref<128xi32, #tpu.memory_space<vmem>>)
    %dma_start3A_38 = arith.constant 0 : i32
    %dma_start3A_39 = arith.constant 0 : i32
    %dma_start3A_40 = tpu.memref_slice %arg5[%dma_start3A_38, %dma_start3A_39] : memref<5000x128xf32, #tpu.memory_space<vmem_shared>> -> memref<5000x128xf32, #tpu.memory_space<vmem_shared>>
    tpu.enqueue_indirect_dma source(%dma_start3A_40 : memref<5000x128xf32, #tpu.memory_space<vmem_shared>>) target(%arg7 : memref<128x128xf32, #tpu.memory_space<vmem>>) offsets(%arg12 : memref<128xi32, #tpu.memory_space<vmem>>) semaphore(%arg17 : memref<!tpu.dma_semaphore, #tpu.memory_space<semaphore_mem>>)
    %dma_wait3A_41 = arith.constant 0 : i32
    %dma_wait3A_42 = tpu.memref_slice %arg2[%dma_wait3A_41] : memref<819200xi32, #tpu.memory_space<hbm>> -> memref<128xi32, #tpu.memory_space<hbm>>
    %dma_wait3A_43 = arith.constant 0 : i32
    %dma_wait3A_44 = tpu.memref_slice %arg2[%dma_wait3A_43] : memref<819200xi32, #tpu.memory_space<hbm>> -> memref<128xi32, #tpu.memory_space<hbm>>
    tpu.wait_dma2 semaphore(%arg28 : memref<!tpu.dma_semaphore, #tpu.memory_space<semaphore_mem>>) src(%dma_wait3A_44 : memref<128xi32, #tpu.memory_space<hbm>>) dst(%arg13 : memref<128xi32, #tpu.memory_space<vmem>>)
    %dma_start3A_45 = arith.constant 0 : i32
    %dma_start3A_46 = arith.constant 0 : i32
    %dma_start3A_47 = tpu.memref_slice %arg5[%dma_start3A_45, %dma_start3A_46] : memref<5000x128xf32, #tpu.memory_space<vmem_shared>> -> memref<5000x128xf32, #tpu.memory_space<vmem_shared>>
    tpu.enqueue_indirect_dma source(%dma_start3A_47 : memref<5000x128xf32, #tpu.memory_space<vmem_shared>>) target(%arg8 : memref<128x128xf32, #tpu.memory_space<vmem>>) offsets(%arg13 : memref<128xi32, #tpu.memory_space<vmem>>) semaphore(%arg18 : memref<!tpu.dma_semaphore, #tpu.memory_space<semaphore_mem>>)
    %scan3A = arith.constant 0 : i32
    %scan3A_48 = arith.constant 0 : i32
    %scan3A_49 = arith.constant 40 : i32
    %scan3A_50 = arith.addi %scan3A_48, %scan3A_49 : i32
    %scan3A_51 = arith.constant 1 : i32
    scf.for %scan3A_65 = %scan3A_48 to %scan3A_50 step %scan3A_51  : i32 {
      %mul3A_66 = arith.constant 5 : i32
      %mul3A_67 = arith.muli %mul3A_66, %scan3A_65 : i32
      %add3A_68 = arith.constant 0 : i32
      %add3A_69 = arith.addi %mul3A_67, %add3A_68 : i32
      %dma_wait3A_70 = arith.constant 0 : i32
      %dma_wait3A_71 = arith.constant 0 : i32
      %dma_wait3A_72 = tpu.memref_slice %arg4[%dma_wait3A_70, %dma_wait3A_71] : memref<819200x128xf32, #tpu.memory_space<hbm>> -> memref<128x128xf32, #tpu.memory_space<hbm>>
      %dma_wait3A_73 = arith.constant 0 : i32
      %dma_wait3A_74 = arith.constant 0 : i32
      %dma_wait3A_75 = tpu.memref_slice %arg4[%dma_wait3A_73, %dma_wait3A_74] : memref<819200x128xf32, #tpu.memory_space<hbm>> -> memref<128x128xf32, #tpu.memory_space<hbm>>
      tpu.wait_dma2 semaphore(%arg16 : memref<!tpu.dma_semaphore, #tpu.memory_space<semaphore_mem>>) src(%dma_wait3A_75 : memref<128x128xf32, #tpu.memory_space<hbm>>) dst(%arg6 : memref<128x128xf32, #tpu.memory_space<vmem>>)
      %mul3A_76 = arith.constant 128 : i32
      %mul3A_77 = arith.muli %add3A_69, %mul3A_76 : i32
      %add3A_78 = arith.addi %mul3A_2, %mul3A_77 : i32
      %dma_start3A_79 = arith.constant 0 : i32
      %dma_start3A_80 = tpu.memref_slice %arg4[%add3A_78, %dma_start3A_79] : memref<819200x128xf32, #tpu.memory_space<hbm>> -> memref<128x128xf32, #tpu.memory_space<hbm>>
      %dma_start3A_81 = arith.constant 0 : i32
      %dma_start3A_82 = tpu.memref_slice %arg4[%add3A_78, %dma_start3A_81] : memref<819200x128xf32, #tpu.memory_space<hbm>> -> memref<128x128xf32, #tpu.memory_space<hbm>>
      tpu.enqueue_dma source(%arg6 : memref<128x128xf32, #tpu.memory_space<vmem>>) target(%dma_start3A_82 : memref<128x128xf32, #tpu.memory_space<hbm>>) target_semaphore(%arg21 : memref<!tpu.dma_semaphore, #tpu.memory_space<semaphore_mem>>)
      %add3A_83 = arith.constant 5 : i32
      %add3A_84 = arith.addi %add3A_69, %add3A_83 : i32
      %lt3A_85 = arith.constant 200 : i32
      %lt3A_86 = arith.cmpi slt, %add3A_84, %lt3A_85 : i32
      %convert_element_type3A_87 = arith.extui %lt3A_86 : i1 to i32
      %cond3A_88 = arith.constant 0 : i32
      %cond3A_89 = arith.cmpi ne, %convert_element_type3A_87, %cond3A_88 : i32
      scf.if %cond3A_89 {
        %add3A_237 = arith.constant 5 : i32
        %add3A_238 = arith.addi %add3A_69, %add3A_237 : i32
        %mul3A_239 = arith.constant 128 : i32
        %mul3A_240 = arith.muli %add3A_238, %mul3A_239 : i32
        %add3A_241 = arith.addi %mul3A_2, %mul3A_240 : i32
        %dma_start3A_242 = tpu.memref_slice %arg2[%add3A_241] : memref<819200xi32, #tpu.memory_space<hbm>> -> memref<128xi32, #tpu.memory_space<hbm>>
        %dma_start3A_243 = tpu.memref_slice %arg2[%add3A_241] : memref<819200xi32, #tpu.memory_space<hbm>> -> memref<128xi32, #tpu.memory_space<hbm>>
        tpu.enqueue_dma source(%dma_start3A_243 : memref<128xi32, #tpu.memory_space<hbm>>) target(%arg11 : memref<128xi32, #tpu.memory_space<vmem>>) target_semaphore(%arg26 : memref<!tpu.dma_semaphore, #tpu.memory_space<semaphore_mem>>)
      } else {
      }
      %ge3A = arith.constant 2 : i32
      %ge3A_90 = arith.cmpi sge, %add3A_69, %ge3A : i32
      %convert_element_type3A_91 = arith.extui %ge3A_90 : i1 to i32
      %cond3A_92 = arith.constant 0 : i32
      %cond3A_93 = arith.cmpi ne, %convert_element_type3A_91, %cond3A_92 : i32
      scf.if %cond3A_93 {
        %dma_wait3A_237 = arith.constant 0 : i32
        %dma_wait3A_238 = arith.constant 0 : i32
        %dma_wait3A_239 = tpu.memref_slice %arg4[%dma_wait3A_237, %dma_wait3A_238] : memref<819200x128xf32, #tpu.memory_space<hbm>> -> memref<128x128xf32, #tpu.memory_space<hbm>>
        %dma_wait3A_240 = arith.constant 0 : i32
        %dma_wait3A_241 = arith.constant 0 : i32
        %dma_wait3A_242 = tpu.memref_slice %arg4[%dma_wait3A_240, %dma_wait3A_241] : memref<819200x128xf32, #tpu.memory_space<hbm>> -> memref<128x128xf32, #tpu.memory_space<hbm>>
        tpu.wait_dma2 semaphore(%arg24 : memref<!tpu.dma_semaphore, #tpu.memory_space<semaphore_mem>>) src(%arg9 : memref<128x128xf32, #tpu.memory_space<vmem>>) dst(%dma_wait3A_242 : memref<128x128xf32, #tpu.memory_space<hbm>>)
      } else {
      }
      %add3A_94 = arith.constant 3 : i32
      %add3A_95 = arith.addi %add3A_69, %add3A_94 : i32
      %lt3A_96 = arith.constant 200 : i32
      %lt3A_97 = arith.cmpi slt, %add3A_95, %lt3A_96 : i32
      %convert_element_type3A_98 = arith.extui %lt3A_97 : i1 to i32
      %cond3A_99 = arith.constant 0 : i32
      %cond3A_100 = arith.cmpi ne, %convert_element_type3A_98, %cond3A_99 : i32
      scf.if %cond3A_100 {
        %dma_wait3A_237 = arith.constant 0 : i32
        %dma_wait3A_238 = tpu.memref_slice %arg2[%dma_wait3A_237] : memref<819200xi32, #tpu.memory_space<hbm>> -> memref<128xi32, #tpu.memory_space<hbm>>
        %dma_wait3A_239 = arith.constant 0 : i32
        %dma_wait3A_240 = tpu.memref_slice %arg2[%dma_wait3A_239] : memref<819200xi32, #tpu.memory_space<hbm>> -> memref<128xi32, #tpu.memory_space<hbm>>
        tpu.wait_dma2 semaphore(%arg29 : memref<!tpu.dma_semaphore, #tpu.memory_space<semaphore_mem>>) src(%dma_wait3A_240 : memref<128xi32, #tpu.memory_space<hbm>>) dst(%arg14 : memref<128xi32, #tpu.memory_space<vmem>>)
        %add3A_241 = arith.constant 3 : i32
        %add3A_242 = arith.addi %add3A_69, %add3A_241 : i32
        %dma_start3A_243 = arith.constant 0 : i32
        %dma_start3A_244 = arith.constant 0 : i32
        %dma_start3A_245 = tpu.memref_slice %arg5[%dma_start3A_243, %dma_start3A_244] : memref<5000x128xf32, #tpu.memory_space<vmem_shared>> -> memref<5000x128xf32, #tpu.memory_space<vmem_shared>>
        tpu.enqueue_indirect_dma source(%dma_start3A_245 : memref<5000x128xf32, #tpu.memory_space<vmem_shared>>) target(%arg9 : memref<128x128xf32, #tpu.memory_space<vmem>>) offsets(%arg14 : memref<128xi32, #tpu.memory_space<vmem>>) semaphore(%arg19 : memref<!tpu.dma_semaphore, #tpu.memory_space<semaphore_mem>>)
      } else {
      }
      %add3A_101 = arith.constant 1 : i32
      %add3A_102 = arith.addi %mul3A_67, %add3A_101 : i32
      %dma_wait3A_103 = arith.constant 0 : i32
      %dma_wait3A_104 = arith.constant 0 : i32
      %dma_wait3A_105 = tpu.memref_slice %arg4[%dma_wait3A_103, %dma_wait3A_104] : memref<819200x128xf32, #tpu.memory_space<hbm>> -> memref<128x128xf32, #tpu.memory_space<hbm>>
      %dma_wait3A_106 = arith.constant 0 : i32
      %dma_wait3A_107 = arith.constant 0 : i32
      %dma_wait3A_108 = tpu.memref_slice %arg4[%dma_wait3A_106, %dma_wait3A_107] : memref<819200x128xf32, #tpu.memory_space<hbm>> -> memref<128x128xf32, #tpu.memory_space<hbm>>
      tpu.wait_dma2 semaphore(%arg17 : memref<!tpu.dma_semaphore, #tpu.memory_space<semaphore_mem>>) src(%dma_wait3A_108 : memref<128x128xf32, #tpu.memory_space<hbm>>) dst(%arg7 : memref<128x128xf32, #tpu.memory_space<vmem>>)
      %mul3A_109 = arith.constant 128 : i32
      %mul3A_110 = arith.muli %add3A_102, %mul3A_109 : i32
      %add3A_111 = arith.addi %mul3A_2, %mul3A_110 : i32
      %dma_start3A_112 = arith.constant 0 : i32
      %dma_start3A_113 = tpu.memref_slice %arg4[%add3A_111, %dma_start3A_112] : memref<819200x128xf32, #tpu.memory_space<hbm>> -> memref<128x128xf32, #tpu.memory_space<hbm>>
      %dma_start3A_114 = arith.constant 0 : i32
      %dma_start3A_115 = tpu.memref_slice %arg4[%add3A_111, %dma_start3A_114] : memref<819200x128xf32, #tpu.memory_space<hbm>> -> memref<128x128xf32, #tpu.memory_space<hbm>>
      tpu.enqueue_dma source(%arg7 : memref<128x128xf32, #tpu.memory_space<vmem>>) target(%dma_start3A_115 : memref<128x128xf32, #tpu.memory_space<hbm>>) target_semaphore(%arg22 : memref<!tpu.dma_semaphore, #tpu.memory_space<semaphore_mem>>)
      %add3A_116 = arith.constant 5 : i32
      %add3A_117 = arith.addi %add3A_102, %add3A_116 : i32
      %lt3A_118 = arith.constant 200 : i32
      %lt3A_119 = arith.cmpi slt, %add3A_117, %lt3A_118 : i32
      %convert_element_type3A_120 = arith.extui %lt3A_119 : i1 to i32
      %cond3A_121 = arith.constant 0 : i32
      %cond3A_122 = arith.cmpi ne, %convert_element_type3A_120, %cond3A_121 : i32
      scf.if %cond3A_122 {
        %add3A_237 = arith.constant 5 : i32
        %add3A_238 = arith.addi %add3A_102, %add3A_237 : i32
        %mul3A_239 = arith.constant 128 : i32
        %mul3A_240 = arith.muli %add3A_238, %mul3A_239 : i32
        %add3A_241 = arith.addi %mul3A_2, %mul3A_240 : i32
        %dma_start3A_242 = tpu.memref_slice %arg2[%add3A_241] : memref<819200xi32, #tpu.memory_space<hbm>> -> memref<128xi32, #tpu.memory_space<hbm>>
        %dma_start3A_243 = tpu.memref_slice %arg2[%add3A_241] : memref<819200xi32, #tpu.memory_space<hbm>> -> memref<128xi32, #tpu.memory_space<hbm>>
        tpu.enqueue_dma source(%dma_start3A_243 : memref<128xi32, #tpu.memory_space<hbm>>) target(%arg12 : memref<128xi32, #tpu.memory_space<vmem>>) target_semaphore(%arg27 : memref<!tpu.dma_semaphore, #tpu.memory_space<semaphore_mem>>)
      } else {
      }
      %ge3A_123 = arith.constant 2 : i32
      %ge3A_124 = arith.cmpi sge, %add3A_102, %ge3A_123 : i32
      %convert_element_type3A_125 = arith.extui %ge3A_124 : i1 to i32
      %cond3A_126 = arith.constant 0 : i32
      %cond3A_127 = arith.cmpi ne, %convert_element_type3A_125, %cond3A_126 : i32
      scf.if %cond3A_127 {
        %dma_wait3A_237 = arith.constant 0 : i32
        %dma_wait3A_238 = arith.constant 0 : i32
        %dma_wait3A_239 = tpu.memref_slice %arg4[%dma_wait3A_237, %dma_wait3A_238] : memref<819200x128xf32, #tpu.memory_space<hbm>> -> memref<128x128xf32, #tpu.memory_space<hbm>>
        %dma_wait3A_240 = arith.constant 0 : i32
        %dma_wait3A_241 = arith.constant 0 : i32
        %dma_wait3A_242 = tpu.memref_slice %arg4[%dma_wait3A_240, %dma_wait3A_241] : memref<819200x128xf32, #tpu.memory_space<hbm>> -> memref<128x128xf32, #tpu.memory_space<hbm>>
        tpu.wait_dma2 semaphore(%arg25 : memref<!tpu.dma_semaphore, #tpu.memory_space<semaphore_mem>>) src(%arg10 : memref<128x128xf32, #tpu.memory_space<vmem>>) dst(%dma_wait3A_242 : memref<128x128xf32, #tpu.memory_space<hbm>>)
      } else {
      }
      %add3A_128 = arith.constant 3 : i32
      %add3A_129 = arith.addi %add3A_102, %add3A_128 : i32
      %lt3A_130 = arith.constant 200 : i32
      %lt3A_131 = arith.cmpi slt, %add3A_129, %lt3A_130 : i32
      %convert_element_type3A_132 = arith.extui %lt3A_131 : i1 to i32
      %cond3A_133 = arith.constant 0 : i32
      %cond3A_134 = arith.cmpi ne, %convert_element_type3A_132, %cond3A_133 : i32
      scf.if %cond3A_134 {
        %dma_wait3A_237 = arith.constant 0 : i32
        %dma_wait3A_238 = tpu.memref_slice %arg2[%dma_wait3A_237] : memref<819200xi32, #tpu.memory_space<hbm>> -> memref<128xi32, #tpu.memory_space<hbm>>
        %dma_wait3A_239 = arith.constant 0 : i32
        %dma_wait3A_240 = tpu.memref_slice %arg2[%dma_wait3A_239] : memref<819200xi32, #tpu.memory_space<hbm>> -> memref<128xi32, #tpu.memory_space<hbm>>
        tpu.wait_dma2 semaphore(%arg30 : memref<!tpu.dma_semaphore, #tpu.memory_space<semaphore_mem>>) src(%dma_wait3A_240 : memref<128xi32, #tpu.memory_space<hbm>>) dst(%arg15 : memref<128xi32, #tpu.memory_space<vmem>>)
        %add3A_241 = arith.constant 3 : i32
        %add3A_242 = arith.addi %add3A_102, %add3A_241 : i32
        %dma_start3A_243 = arith.constant 0 : i32
        %dma_start3A_244 = arith.constant 0 : i32
        %dma_start3A_245 = tpu.memref_slice %arg5[%dma_start3A_243, %dma_start3A_244] : memref<5000x128xf32, #tpu.memory_space<vmem_shared>> -> memref<5000x128xf32, #tpu.memory_space<vmem_shared>>
        tpu.enqueue_indirect_dma source(%dma_start3A_245 : memref<5000x128xf32, #tpu.memory_space<vmem_shared>>) target(%arg10 : memref<128x128xf32, #tpu.memory_space<vmem>>) offsets(%arg15 : memref<128xi32, #tpu.memory_space<vmem>>) semaphore(%arg20 : memref<!tpu.dma_semaphore, #tpu.memory_space<semaphore_mem>>)
      } else {
      }
      %add3A_135 = arith.constant 2 : i32
      %add3A_136 = arith.addi %mul3A_67, %add3A_135 : i32
      %dma_wait3A_137 = arith.constant 0 : i32
      %dma_wait3A_138 = arith.constant 0 : i32
      %dma_wait3A_139 = tpu.memref_slice %arg4[%dma_wait3A_137, %dma_wait3A_138] : memref<819200x128xf32, #tpu.memory_space<hbm>> -> memref<128x128xf32, #tpu.memory_space<hbm>>
      %dma_wait3A_140 = arith.constant 0 : i32
      %dma_wait3A_141 = arith.constant 0 : i32
      %dma_wait3A_142 = tpu.memref_slice %arg4[%dma_wait3A_140, %dma_wait3A_141] : memref<819200x128xf32, #tpu.memory_space<hbm>> -> memref<128x128xf32, #tpu.memory_space<hbm>>
      tpu.wait_dma2 semaphore(%arg18 : memref<!tpu.dma_semaphore, #tpu.memory_space<semaphore_mem>>) src(%dma_wait3A_142 : memref<128x128xf32, #tpu.memory_space<hbm>>) dst(%arg8 : memref<128x128xf32, #tpu.memory_space<vmem>>)
      %mul3A_143 = arith.constant 128 : i32
      %mul3A_144 = arith.muli %add3A_136, %mul3A_143 : i32
      %add3A_145 = arith.addi %mul3A_2, %mul3A_144 : i32
      %dma_start3A_146 = arith.constant 0 : i32
      %dma_start3A_147 = tpu.memref_slice %arg4[%add3A_145, %dma_start3A_146] : memref<819200x128xf32, #tpu.memory_space<hbm>> -> memref<128x128xf32, #tpu.memory_space<hbm>>
      %dma_start3A_148 = arith.constant 0 : i32
      %dma_start3A_149 = tpu.memref_slice %arg4[%add3A_145, %dma_start3A_148] : memref<819200x128xf32, #tpu.memory_space<hbm>> -> memref<128x128xf32, #tpu.memory_space<hbm>>
      tpu.enqueue_dma source(%arg8 : memref<128x128xf32, #tpu.memory_space<vmem>>) target(%dma_start3A_149 : memref<128x128xf32, #tpu.memory_space<hbm>>) target_semaphore(%arg23 : memref<!tpu.dma_semaphore, #tpu.memory_space<semaphore_mem>>)
      %add3A_150 = arith.constant 5 : i32
      %add3A_151 = arith.addi %add3A_136, %add3A_150 : i32
      %lt3A_152 = arith.constant 200 : i32
      %lt3A_153 = arith.cmpi slt, %add3A_151, %lt3A_152 : i32
      %convert_element_type3A_154 = arith.extui %lt3A_153 : i1 to i32
      %cond3A_155 = arith.constant 0 : i32
      %cond3A_156 = arith.cmpi ne, %convert_element_type3A_154, %cond3A_155 : i32
      scf.if %cond3A_156 {
        %add3A_237 = arith.constant 5 : i32
        %add3A_238 = arith.addi %add3A_136, %add3A_237 : i32
        %mul3A_239 = arith.constant 128 : i32
        %mul3A_240 = arith.muli %add3A_238, %mul3A_239 : i32
        %add3A_241 = arith.addi %mul3A_2, %mul3A_240 : i32
        %dma_start3A_242 = tpu.memref_slice %arg2[%add3A_241] : memref<819200xi32, #tpu.memory_space<hbm>> -> memref<128xi32, #tpu.memory_space<hbm>>
        %dma_start3A_243 = tpu.memref_slice %arg2[%add3A_241] : memref<819200xi32, #tpu.memory_space<hbm>> -> memref<128xi32, #tpu.memory_space<hbm>>
        tpu.enqueue_dma source(%dma_start3A_243 : memref<128xi32, #tpu.memory_space<hbm>>) target(%arg13 : memref<128xi32, #tpu.memory_space<vmem>>) target_semaphore(%arg28 : memref<!tpu.dma_semaphore, #tpu.memory_space<semaphore_mem>>)
      } else {
      }
      %ge3A_157 = arith.constant 2 : i32
      %ge3A_158 = arith.cmpi sge, %add3A_136, %ge3A_157 : i32
      %convert_element_type3A_159 = arith.extui %ge3A_158 : i1 to i32
      %cond3A_160 = arith.constant 0 : i32
      %cond3A_161 = arith.cmpi ne, %convert_element_type3A_159, %cond3A_160 : i32
      scf.if %cond3A_161 {
        %dma_wait3A_237 = arith.constant 0 : i32
        %dma_wait3A_238 = arith.constant 0 : i32
        %dma_wait3A_239 = tpu.memref_slice %arg4[%dma_wait3A_237, %dma_wait3A_238] : memref<819200x128xf32, #tpu.memory_space<hbm>> -> memref<128x128xf32, #tpu.memory_space<hbm>>
        %dma_wait3A_240 = arith.constant 0 : i32
        %dma_wait3A_241 = arith.constant 0 : i32
        %dma_wait3A_242 = tpu.memref_slice %arg4[%dma_wait3A_240, %dma_wait3A_241] : memref<819200x128xf32, #tpu.memory_space<hbm>> -> memref<128x128xf32, #tpu.memory_space<hbm>>
        tpu.wait_dma2 semaphore(%arg21 : memref<!tpu.dma_semaphore, #tpu.memory_space<semaphore_mem>>) src(%arg6 : memref<128x128xf32, #tpu.memory_space<vmem>>) dst(%dma_wait3A_242 : memref<128x128xf32, #tpu.memory_space<hbm>>)
      } else {
      }
      %add3A_162 = arith.constant 3 : i32
      %add3A_163 = arith.addi %add3A_136, %add3A_162 : i32
      %lt3A_164 = arith.constant 200 : i32
      %lt3A_165 = arith.cmpi slt, %add3A_163, %lt3A_164 : i32
      %convert_element_type3A_166 = arith.extui %lt3A_165 : i1 to i32
      %cond3A_167 = arith.constant 0 : i32
      %cond3A_168 = arith.cmpi ne, %convert_element_type3A_166, %cond3A_167 : i32
      scf.if %cond3A_168 {
        %dma_wait3A_237 = arith.constant 0 : i32
        %dma_wait3A_238 = tpu.memref_slice %arg2[%dma_wait3A_237] : memref<819200xi32, #tpu.memory_space<hbm>> -> memref<128xi32, #tpu.memory_space<hbm>>
        %dma_wait3A_239 = arith.constant 0 : i32
        %dma_wait3A_240 = tpu.memref_slice %arg2[%dma_wait3A_239] : memref<819200xi32, #tpu.memory_space<hbm>> -> memref<128xi32, #tpu.memory_space<hbm>>
        tpu.wait_dma2 semaphore(%arg26 : memref<!tpu.dma_semaphore, #tpu.memory_space<semaphore_mem>>) src(%dma_wait3A_240 : memref<128xi32, #tpu.memory_space<hbm>>) dst(%arg11 : memref<128xi32, #tpu.memory_space<vmem>>)
        %add3A_241 = arith.constant 3 : i32
        %add3A_242 = arith.addi %add3A_136, %add3A_241 : i32
        %dma_start3A_243 = arith.constant 0 : i32
        %dma_start3A_244 = arith.constant 0 : i32
        %dma_start3A_245 = tpu.memref_slice %arg5[%dma_start3A_243, %dma_start3A_244] : memref<5000x128xf32, #tpu.memory_space<vmem_shared>> -> memref<5000x128xf32, #tpu.memory_space<vmem_shared>>
        tpu.enqueue_indirect_dma source(%dma_start3A_245 : memref<5000x128xf32, #tpu.memory_space<vmem_shared>>) target(%arg6 : memref<128x128xf32, #tpu.memory_space<vmem>>) offsets(%arg11 : memref<128xi32, #tpu.memory_space<vmem>>) semaphore(%arg16 : memref<!tpu.dma_semaphore, #tpu.memory_space<semaphore_mem>>)
      } else {
      }
      %add3A_169 = arith.constant 3 : i32
      %add3A_170 = arith.addi %mul3A_67, %add3A_169 : i32
      %dma_wait3A_171 = arith.constant 0 : i32
      %dma_wait3A_172 = arith.constant 0 : i32
      %dma_wait3A_173 = tpu.memref_slice %arg4[%dma_wait3A_171, %dma_wait3A_172] : memref<819200x128xf32, #tpu.memory_space<hbm>> -> memref<128x128xf32, #tpu.memory_space<hbm>>
      %dma_wait3A_174 = arith.constant 0 : i32
      %dma_wait3A_175 = arith.constant 0 : i32
      %dma_wait3A_176 = tpu.memref_slice %arg4[%dma_wait3A_174, %dma_wait3A_175] : memref<819200x128xf32, #tpu.memory_space<hbm>> -> memref<128x128xf32, #tpu.memory_space<hbm>>
      tpu.wait_dma2 semaphore(%arg19 : memref<!tpu.dma_semaphore, #tpu.memory_space<semaphore_mem>>) src(%dma_wait3A_176 : memref<128x128xf32, #tpu.memory_space<hbm>>) dst(%arg9 : memref<128x128xf32, #tpu.memory_space<vmem>>)
      %mul3A_177 = arith.constant 128 : i32
      %mul3A_178 = arith.muli %add3A_170, %mul3A_177 : i32
      %add3A_179 = arith.addi %mul3A_2, %mul3A_178 : i32
      %dma_start3A_180 = arith.constant 0 : i32
      %dma_start3A_181 = tpu.memref_slice %arg4[%add3A_179, %dma_start3A_180] : memref<819200x128xf32, #tpu.memory_space<hbm>> -> memref<128x128xf32, #tpu.memory_space<hbm>>
      %dma_start3A_182 = arith.constant 0 : i32
      %dma_start3A_183 = tpu.memref_slice %arg4[%add3A_179, %dma_start3A_182] : memref<819200x128xf32, #tpu.memory_space<hbm>> -> memref<128x128xf32, #tpu.memory_space<hbm>>
      tpu.enqueue_dma source(%arg9 : memref<128x128xf32, #tpu.memory_space<vmem>>) target(%dma_start3A_183 : memref<128x128xf32, #tpu.memory_space<hbm>>) target_semaphore(%arg24 : memref<!tpu.dma_semaphore, #tpu.memory_space<semaphore_mem>>)
      %add3A_184 = arith.constant 5 : i32
      %add3A_185 = arith.addi %add3A_170, %add3A_184 : i32
      %lt3A_186 = arith.constant 200 : i32
      %lt3A_187 = arith.cmpi slt, %add3A_185, %lt3A_186 : i32
      %convert_element_type3A_188 = arith.extui %lt3A_187 : i1 to i32
      %cond3A_189 = arith.constant 0 : i32
      %cond3A_190 = arith.cmpi ne, %convert_element_type3A_188, %cond3A_189 : i32
      scf.if %cond3A_190 {
        %add3A_237 = arith.constant 5 : i32
        %add3A_238 = arith.addi %add3A_170, %add3A_237 : i32
        %mul3A_239 = arith.constant 128 : i32
        %mul3A_240 = arith.muli %add3A_238, %mul3A_239 : i32
        %add3A_241 = arith.addi %mul3A_2, %mul3A_240 : i32
        %dma_start3A_242 = tpu.memref_slice %arg2[%add3A_241] : memref<819200xi32, #tpu.memory_space<hbm>> -> memref<128xi32, #tpu.memory_space<hbm>>
        %dma_start3A_243 = tpu.memref_slice %arg2[%add3A_241] : memref<819200xi32, #tpu.memory_space<hbm>> -> memref<128xi32, #tpu.memory_space<hbm>>
        tpu.enqueue_dma source(%dma_start3A_243 : memref<128xi32, #tpu.memory_space<hbm>>) target(%arg14 : memref<128xi32, #tpu.memory_space<vmem>>) target_semaphore(%arg29 : memref<!tpu.dma_semaphore, #tpu.memory_space<semaphore_mem>>)
      } else {
      }
      %ge3A_191 = arith.constant 2 : i32
      %ge3A_192 = arith.cmpi sge, %add3A_170, %ge3A_191 : i32
      %convert_element_type3A_193 = arith.extui %ge3A_192 : i1 to i32
      %cond3A_194 = arith.constant 0 : i32
      %cond3A_195 = arith.cmpi ne, %convert_element_type3A_193, %cond3A_194 : i32
      scf.if %cond3A_195 {
        %dma_wait3A_237 = arith.constant 0 : i32
        %dma_wait3A_238 = arith.constant 0 : i32
        %dma_wait3A_239 = tpu.memref_slice %arg4[%dma_wait3A_237, %dma_wait3A_238] : memref<819200x128xf32, #tpu.memory_space<hbm>> -> memref<128x128xf32, #tpu.memory_space<hbm>>
        %dma_wait3A_240 = arith.constant 0 : i32
        %dma_wait3A_241 = arith.constant 0 : i32
        %dma_wait3A_242 = tpu.memref_slice %arg4[%dma_wait3A_240, %dma_wait3A_241] : memref<819200x128xf32, #tpu.memory_space<hbm>> -> memref<128x128xf32, #tpu.memory_space<hbm>>
        tpu.wait_dma2 semaphore(%arg22 : memref<!tpu.dma_semaphore, #tpu.memory_space<semaphore_mem>>) src(%arg7 : memref<128x128xf32, #tpu.memory_space<vmem>>) dst(%dma_wait3A_242 : memref<128x128xf32, #tpu.memory_space<hbm>>)
      } else {
      }
      %add3A_196 = arith.constant 3 : i32
      %add3A_197 = arith.addi %add3A_170, %add3A_196 : i32
      %lt3A_198 = arith.constant 200 : i32
      %lt3A_199 = arith.cmpi slt, %add3A_197, %lt3A_198 : i32
      %convert_element_type3A_200 = arith.extui %lt3A_199 : i1 to i32
      %cond3A_201 = arith.constant 0 : i32
      %cond3A_202 = arith.cmpi ne, %convert_element_type3A_200, %cond3A_201 : i32
      scf.if %cond3A_202 {
        %dma_wait3A_237 = arith.constant 0 : i32
        %dma_wait3A_238 = tpu.memref_slice %arg2[%dma_wait3A_237] : memref<819200xi32, #tpu.memory_space<hbm>> -> memref<128xi32, #tpu.memory_space<hbm>>
        %dma_wait3A_239 = arith.constant 0 : i32
        %dma_wait3A_240 = tpu.memref_slice %arg2[%dma_wait3A_239] : memref<819200xi32, #tpu.memory_space<hbm>> -> memref<128xi32, #tpu.memory_space<hbm>>
        tpu.wait_dma2 semaphore(%arg27 : memref<!tpu.dma_semaphore, #tpu.memory_space<semaphore_mem>>) src(%dma_wait3A_240 : memref<128xi32, #tpu.memory_space<hbm>>) dst(%arg12 : memref<128xi32, #tpu.memory_space<vmem>>)
        %add3A_241 = arith.constant 3 : i32
        %add3A_242 = arith.addi %add3A_170, %add3A_241 : i32
        %dma_start3A_243 = arith.constant 0 : i32
        %dma_start3A_244 = arith.constant 0 : i32
        %dma_start3A_245 = tpu.memref_slice %arg5[%dma_start3A_243, %dma_start3A_244] : memref<5000x128xf32, #tpu.memory_space<vmem_shared>> -> memref<5000x128xf32, #tpu.memory_space<vmem_shared>>
        tpu.enqueue_indirect_dma source(%dma_start3A_245 : memref<5000x128xf32, #tpu.memory_space<vmem_shared>>) target(%arg7 : memref<128x128xf32, #tpu.memory_space<vmem>>) offsets(%arg12 : memref<128xi32, #tpu.memory_space<vmem>>) semaphore(%arg17 : memref<!tpu.dma_semaphore, #tpu.memory_space<semaphore_mem>>)
      } else {
      }
      %add3A_203 = arith.constant 4 : i32
      %add3A_204 = arith.addi %mul3A_67, %add3A_203 : i32
      %dma_wait3A_205 = arith.constant 0 : i32
      %dma_wait3A_206 = arith.constant 0 : i32
      %dma_wait3A_207 = tpu.memref_slice %arg4[%dma_wait3A_205, %dma_wait3A_206] : memref<819200x128xf32, #tpu.memory_space<hbm>> -> memref<128x128xf32, #tpu.memory_space<hbm>>
      %dma_wait3A_208 = arith.constant 0 : i32
      %dma_wait3A_209 = arith.constant 0 : i32
      %dma_wait3A_210 = tpu.memref_slice %arg4[%dma_wait3A_208, %dma_wait3A_209] : memref<819200x128xf32, #tpu.memory_space<hbm>> -> memref<128x128xf32, #tpu.memory_space<hbm>>
      tpu.wait_dma2 semaphore(%arg20 : memref<!tpu.dma_semaphore, #tpu.memory_space<semaphore_mem>>) src(%dma_wait3A_210 : memref<128x128xf32, #tpu.memory_space<hbm>>) dst(%arg10 : memref<128x128xf32, #tpu.memory_space<vmem>>)
      %mul3A_211 = arith.constant 128 : i32
      %mul3A_212 = arith.muli %add3A_204, %mul3A_211 : i32
      %add3A_213 = arith.addi %mul3A_2, %mul3A_212 : i32
      %dma_start3A_214 = arith.constant 0 : i32
      %dma_start3A_215 = tpu.memref_slice %arg4[%add3A_213, %dma_start3A_214] : memref<819200x128xf32, #tpu.memory_space<hbm>> -> memref<128x128xf32, #tpu.memory_space<hbm>>
      %dma_start3A_216 = arith.constant 0 : i32
      %dma_start3A_217 = tpu.memref_slice %arg4[%add3A_213, %dma_start3A_216] : memref<819200x128xf32, #tpu.memory_space<hbm>> -> memref<128x128xf32, #tpu.memory_space<hbm>>
      tpu.enqueue_dma source(%arg10 : memref<128x128xf32, #tpu.memory_space<vmem>>) target(%dma_start3A_217 : memref<128x128xf32, #tpu.memory_space<hbm>>) target_semaphore(%arg25 : memref<!tpu.dma_semaphore, #tpu.memory_space<semaphore_mem>>)
      %add3A_218 = arith.constant 5 : i32
      %add3A_219 = arith.addi %add3A_204, %add3A_218 : i32
      %lt3A_220 = arith.constant 200 : i32
      %lt3A_221 = arith.cmpi slt, %add3A_219, %lt3A_220 : i32
      %convert_element_type3A_222 = arith.extui %lt3A_221 : i1 to i32
      %cond3A_223 = arith.constant 0 : i32
      %cond3A_224 = arith.cmpi ne, %convert_element_type3A_222, %cond3A_223 : i32
      scf.if %cond3A_224 {
        %add3A_237 = arith.constant 5 : i32
        %add3A_238 = arith.addi %add3A_204, %add3A_237 : i32
        %mul3A_239 = arith.constant 128 : i32
        %mul3A_240 = arith.muli %add3A_238, %mul3A_239 : i32
        %add3A_241 = arith.addi %mul3A_2, %mul3A_240 : i32
        %dma_start3A_242 = tpu.memref_slice %arg2[%add3A_241] : memref<819200xi32, #tpu.memory_space<hbm>> -> memref<128xi32, #tpu.memory_space<hbm>>
        %dma_start3A_243 = tpu.memref_slice %arg2[%add3A_241] : memref<819200xi32, #tpu.memory_space<hbm>> -> memref<128xi32, #tpu.memory_space<hbm>>
        tpu.enqueue_dma source(%dma_start3A_243 : memref<128xi32, #tpu.memory_space<hbm>>) target(%arg15 : memref<128xi32, #tpu.memory_space<vmem>>) target_semaphore(%arg30 : memref<!tpu.dma_semaphore, #tpu.memory_space<semaphore_mem>>)
      } else {
      }
      %ge3A_225 = arith.constant 2 : i32
      %ge3A_226 = arith.cmpi sge, %add3A_204, %ge3A_225 : i32
      %convert_element_type3A_227 = arith.extui %ge3A_226 : i1 to i32
      %cond3A_228 = arith.constant 0 : i32
      %cond3A_229 = arith.cmpi ne, %convert_element_type3A_227, %cond3A_228 : i32
      scf.if %cond3A_229 {
        %dma_wait3A_237 = arith.constant 0 : i32
        %dma_wait3A_238 = arith.constant 0 : i32
        %dma_wait3A_239 = tpu.memref_slice %arg4[%dma_wait3A_237, %dma_wait3A_238] : memref<819200x128xf32, #tpu.memory_space<hbm>> -> memref<128x128xf32, #tpu.memory_space<hbm>>
        %dma_wait3A_240 = arith.constant 0 : i32
        %dma_wait3A_241 = arith.constant 0 : i32
        %dma_wait3A_242 = tpu.memref_slice %arg4[%dma_wait3A_240, %dma_wait3A_241] : memref<819200x128xf32, #tpu.memory_space<hbm>> -> memref<128x128xf32, #tpu.memory_space<hbm>>
        tpu.wait_dma2 semaphore(%arg23 : memref<!tpu.dma_semaphore, #tpu.memory_space<semaphore_mem>>) src(%arg8 : memref<128x128xf32, #tpu.memory_space<vmem>>) dst(%dma_wait3A_242 : memref<128x128xf32, #tpu.memory_space<hbm>>)
      } else {
      }
      %add3A_230 = arith.constant 3 : i32
      %add3A_231 = arith.addi %add3A_204, %add3A_230 : i32
      %lt3A_232 = arith.constant 200 : i32
      %lt3A_233 = arith.cmpi slt, %add3A_231, %lt3A_232 : i32
      %convert_element_type3A_234 = arith.extui %lt3A_233 : i1 to i32
      %cond3A_235 = arith.constant 0 : i32
      %cond3A_236 = arith.cmpi ne, %convert_element_type3A_234, %cond3A_235 : i32
      scf.if %cond3A_236 {
        %dma_wait3A_237 = arith.constant 0 : i32
        %dma_wait3A_238 = tpu.memref_slice %arg2[%dma_wait3A_237] : memref<819200xi32, #tpu.memory_space<hbm>> -> memref<128xi32, #tpu.memory_space<hbm>>
        %dma_wait3A_239 = arith.constant 0 : i32
        %dma_wait3A_240 = tpu.memref_slice %arg2[%dma_wait3A_239] : memref<819200xi32, #tpu.memory_space<hbm>> -> memref<128xi32, #tpu.memory_space<hbm>>
        tpu.wait_dma2 semaphore(%arg28 : memref<!tpu.dma_semaphore, #tpu.memory_space<semaphore_mem>>) src(%dma_wait3A_240 : memref<128xi32, #tpu.memory_space<hbm>>) dst(%arg13 : memref<128xi32, #tpu.memory_space<vmem>>)
        %add3A_241 = arith.constant 3 : i32
        %add3A_242 = arith.addi %add3A_204, %add3A_241 : i32
        %dma_start3A_243 = arith.constant 0 : i32
        %dma_start3A_244 = arith.constant 0 : i32
        %dma_start3A_245 = tpu.memref_slice %arg5[%dma_start3A_243, %dma_start3A_244] : memref<5000x128xf32, #tpu.memory_space<vmem_shared>> -> memref<5000x128xf32, #tpu.memory_space<vmem_shared>>
        tpu.enqueue_indirect_dma source(%dma_start3A_245 : memref<5000x128xf32, #tpu.memory_space<vmem_shared>>) target(%arg8 : memref<128x128xf32, #tpu.memory_space<vmem>>) offsets(%arg13 : memref<128xi32, #tpu.memory_space<vmem>>) semaphore(%arg18 : memref<!tpu.dma_semaphore, #tpu.memory_space<semaphore_mem>>)
      } else {
      }
    }
    %scan3A_52 = arith.constant 40 : i32
    %dma_wait3A_53 = arith.constant 0 : i32
    %dma_wait3A_54 = arith.constant 0 : i32
    %dma_wait3A_55 = tpu.memref_slice %arg4[%dma_wait3A_53, %dma_wait3A_54] : memref<819200x128xf32, #tpu.memory_space<hbm>> -> memref<128x128xf32, #tpu.memory_space<hbm>>
    %dma_wait3A_56 = arith.constant 0 : i32
    %dma_wait3A_57 = arith.constant 0 : i32
    %dma_wait3A_58 = tpu.memref_slice %arg4[%dma_wait3A_56, %dma_wait3A_57] : memref<819200x128xf32, #tpu.memory_space<hbm>> -> memref<128x128xf32, #tpu.memory_space<hbm>>
    tpu.wait_dma2 semaphore(%arg24 : memref<!tpu.dma_semaphore, #tpu.memory_space<semaphore_mem>>) src(%arg9 : memref<128x128xf32, #tpu.memory_space<vmem>>) dst(%dma_wait3A_58 : memref<128x128xf32, #tpu.memory_space<hbm>>)
    %dma_wait3A_59 = arith.constant 0 : i32
    %dma_wait3A_60 = arith.constant 0 : i32
    %dma_wait3A_61 = tpu.memref_slice %arg4[%dma_wait3A_59, %dma_wait3A_60] : memref<819200x128xf32, #tpu.memory_space<hbm>> -> memref<128x128xf32, #tpu.memory_space<hbm>>
    %dma_wait3A_62 = arith.constant 0 : i32
    %dma_wait3A_63 = arith.constant 0 : i32
    %dma_wait3A_64 = tpu.memref_slice %arg4[%dma_wait3A_62, %dma_wait3A_63] : memref<819200x128xf32, #tpu.memory_space<hbm>> -> memref<128x128xf32, #tpu.memory_space<hbm>>
    tpu.wait_dma2 semaphore(%arg25 : memref<!tpu.dma_semaphore, #tpu.memory_space<semaphore_mem>>) src(%arg10 : memref<128x128xf32, #tpu.memory_space<vmem>>) dst(%dma_wait3A_64 : memref<128x128xf32, #tpu.memory_space<hbm>>)
    return
  }
}

</mosaic_0001>

<sc_bundles>
// kernel: kernel.3.cloned.1.call-start
scs
__scs_entry_jumppad:
0x0: {  	(pc) =	sbr.rel $0x88, $3  }
0x1: {  	(tag) =	ssettag $0x0;
	lr =	simm.s32 $0x1  }
0x2: {  	[smem:$0x3F9F] =	sst lr;
	_ =	strace $0xD0000000  }
0x3: {  	_ = 	snop  }
0x4: {  	_ = 	snop  }
0x5: {  	_ = 	snop  }
0x6: {  	_ = 	snop  }
0x7: {  	_ = 	snop  }
__scs_overlays_trampoline_lowered:
0x8: {  	[smem:$0x3FAE] =	sst s0  }
0x9: {  	[smem:$0x3FAF] =	sst s1  }
0xa: {  	[smem:$0x3FB0] =	sst s2  }
0xb: {  	[smem:$0x3FB1] =	sst s3  }
0xc: {  	[smem:$0x3FB2] =	sst s4  }
0xd: {  	[smem:$0x3FB3] =	sst s5  }
0xe: {  	[smem:$0x3FB4] =	sst s6  }
0xf: {  	[smem:$0x3FB5] =	sst s7  }
0x10: {  	[smem:$0x3FB6] =	sst s8  }
0x11: {  	[smem:$0x3FB7] =	sst s9;
	s0 =	simm.s32 @!p0 $0x0  }
0x12: {  	s1 =	sld [smem:$0x3F9D];
	s0 =	simm.s32 @p0 $0x1  }
0x13: {  	[smem:$0x3FB8] =	sst s0;
	s0 =	simm.s32 @!p1 $0x0  }
0x14: {  	s2 =	sld [smem:$0x3F9C];
	s0 =	simm.s32 @p1 $0x1  }
0x15: {  	[smem:$0x3FB9] =	sst s0;
	s0 =	simm.s32 @!p2 $0x0  }
0x16: {  	s3 =	sld [smem:$0x3FDB];
	s0 =	simm.s32 @p2 $0x1  }
0x17: {  	s4 =	simm.s32 $0x1BF5;
	[smem:$0x3FBB] =	sst s0  }
0x18: {  	s0 =	sld [smem:$0x3F9E];
	_ =	swait.ge [sflag:s4], $0x0  }
0x19: {  	s7 =	sld [smem:$0x3F9F]  }
0x1a: {  	s8 =	sadd.s32 $0xFFFFE003, lr  }
0x1b: {  	s9 =	sadd.s32 $0xFFFFFEF7, lr;
	s5 =	simm.s32 $0xFFFFFFFF;
	p2 =	slt.u32 s8, $0xFFFFF086  }
0x1c: {  	p1 =	slt.u32 s9, $0xF7A;
	s5 =	simm.s32 @!p2 $0x0  }
0x1d: {  	s5 =	simm.s32 @p1 $0x1;
	p0 =	seq.s32 s7, s2  }
0x1e: {  	s7 =	smul.u32 @!p0 $0xF7A, s2;
	p2 =	seq.s32 @!p0 s5, $0x0  }
0x1f: {  	s9 =	smul.u32 $0xF7A, s1;
	s8 =	simm.s32 @!p0 $0x1BF5;
	p2 =	por !p2, p0  }
0x20: {  	[sflag:s8] =	ssyncset.s32 @!p0 $0xFFFFF086;
	s6 =	sadd.s32 @!p0 s3, s7;
	s7 =	simm.s32 @!p0 $0x108  }
0x21: {  	s3 =	sadd.s32 s3, s9;
	s6 =	sadd.s32 @!p0 $0x88, s6;
	s7 =	simm.s32 @p2 $0x1082  }
0x22: {  	[simem:s7], [sflag:s8] =	dma.local @!p0 [hbm:s6], $0xF7A  }
0x23: {  	s9 =	sor.u32 $0xD0000000, s2;
	s6 =	simm.s32 $0x108;
	_ =	swait.ge @!p0 [sflag:s8], $0x0  }
0x24: {  	s3 =	sadd.s32 $0x88, s3;
	s6 =	simm.s32 @!p1 $0x1082;
	[sflag:s4] =	ssyncset.s32 $0xFFFFF086  }
0x25: {  	[simem:s6], [sflag:s4] =	dma.local [hbm:s3], $0xF7A  }
0x26: {  	[smem:$0x3F9F] =	sst s1;
	(tag) =	ssettag s2;
	_ =	strace s9  }
0x27: {  	s1 =	sld [smem:$0x3FAF]  }
0x28: {  	s2 =	sld [smem:$0x3FB0]  }
0x29: {  	s4 =	sld [smem:$0x3FB2]  }
0x2a: {  	p0 =	seq.s32 s5, $0x0;
	s5 =	sld [smem:$0x3FB3]  }
0x2b: {  	s6 =	sld [smem:$0x3FB4]  }
0x2c: {  	s7 =	sld [smem:$0x3FB5]  }
0x2d: {  	s3 =	simm.s32 $0x108;
	s8 =	sld [smem:$0x3FB6]  }
0x2e: {  	s3 =	simm.s32 @!p0 $0x1082;
	s9 =	sld [smem:$0x3FB7]  }
0x2f: {  	lr =	sadd.s32 s0, s3;
	s0 =	sld [smem:$0x3FAE]  }
0x30: {  	s3 =	sld [smem:$0x3FB1]  }
0x31: {  	[smem:$0x3FBA] =	sst s10  }
0x32: {  	s10 =	sld [smem:$0x3FB8];
	_ =	sdelay $0x3  }
0x33: {  	p0 =	seq.s32 s10, $0x1;
	s10 =	sld [smem:$0x3FBA];
	_ =	sdelay $0x3  }
0x34: {  	[smem:$0x3FBA] =	sst s10  }
0x35: {  	s10 =	sld [smem:$0x3FB9];
	_ =	sdelay $0x3  }
0x36: {  	p1 =	seq.s32 s10, $0x1;
	s10 =	sld [smem:$0x3FBA];
	_ =	sdelay $0x3  }
0x37: {  	[smem:$0x3FBA] =	sst s10  }
0x38: {  	s10 =	sld [smem:$0x3FBB]  }
0x39: {  	_ = 	snop;
	(pc) =	sbr.ind lr, $3  }
0x3a: {  	_ = 	snop  }
0x3b: {  	_ = 	snop  }
0x3c: {  	p2 =	seq.s32 s10, $0x1;
	s10 =	sld [smem:$0x3FBA]  }
0x3d: {  	_ =	shalt  }
0x3e: {  	_ =	shalt  }
0x3f: {  	_ =	shalt  }
0x40: {  	_ =	shalt  }
0x41: {  	_ =	shalt  }
0x42: {  	_ =	shalt  }
0x43: {  	_ =	shalt  }
0x44: {  	_ =	shalt  }
0x45: {  	_ =	shalt  }
0x46: {  	_ =	shalt  }
0x47: {  	_ =	shalt  }
0x48: {  	_ =	shalt  }
0x49: {  	_ =	shalt  }
0x4a: {  	_ =	shalt  }
0x4b: {  	_ =	shalt  }
0x4c: {  	_ =	shalt  }
0x4d: {  	_ =	shalt  }
0x4e: {  	_ =	shalt  }
0x4f: {  	_ =	shalt  }
0x50: {  	_ =	shalt  }
0x51: {  	_ =	shalt  }
0x52: {  	_ =	shalt  }
0x53: {  	_ =	shalt  }
0x54: {  	_ =	shalt  }
0x55: {  	_ =	shalt  }
0x56: {  	_ =	shalt  }
0x57: {  	_ =	shalt  }
0x58: {  	_ =	shalt  }
0x59: {  	_ =	shalt  }
0x5a: {  	_ =	shalt  }
0x5b: {  	_ =	shalt  }
0x5c: {  	_ =	shalt  }
0x5d: {  	_ =	shalt  }
0x5e: {  	_ =	shalt  }
0x5f: {  	_ =	shalt  }
0x60: {  	_ =	shalt  }
0x61: {  	_ =	shalt  }
0x62: {  	_ =	shalt  }
0x63: {  	_ =	shalt  }
0x64: {  	_ =	shalt  }
0x65: {  	_ =	shalt  }
0x66: {  	_ =	shalt  }
0x67: {  	_ =	shalt  }
0x68: {  	_ =	shalt  }
0x69: {  	_ =	shalt  }
0x6a: {  	_ =	shalt  }
0x6b: {  	_ =	shalt  }
0x6c: {  	_ =	shalt  }
0x6d: {  	_ =	shalt  }
0x6e: {  	_ =	shalt  }
0x6f: {  	_ =	shalt  }
0x70: {  	_ =	shalt  }
0x71: {  	_ =	shalt  }
0x72: {  	_ =	shalt  }
0x73: {  	_ =	shalt  }
0x74: {  	_ =	shalt  }
0x75: {  	_ =	shalt  }
0x76: {  	_ =	shalt  }
0x77: {  	_ =	shalt  }
0x78: {  	_ =	shalt  }
0x79: {  	_ =	shalt  }
0x7a: {  	_ =	shalt  }
0x7b: {  	_ =	shalt  }
0x7c: {  	_ =	shalt  }
0x7d: {  	_ =	shalt  }
0x7e: {  	_ =	shalt  }
0x7f: {  	_ =	shalt  }
0x80: {  	_ =	shalt  }
0x81: {  	_ =	shalt  }
0x82: {  	_ =	shalt  }
0x83: {  	_ =	shalt  }
0x84: {  	_ =	shalt  }
0x85: {  	_ =	shalt  }
0x86: {  	_ =	shalt  }
0x87: {  	_ =	shalt  }
.Lfunc_end0:
.L_simem_size_0:
called_computation_lowered:
.L_overlay_start_0:
0x88: {  	s2 =	sld [smem:$0x3FD9]  }
0x89: {  	s3 =	sld [smem:$0x3FFE];
	_ =	sdelay $0x1  }
0x8a: {  	s1 =	srdreg.scid  }
0x8b: {  	s0 =	sand.u32 $0x1, s1  }
0x8c: {  	s17 =	sshll.u32 s0, $0xA;
	s2 =	sadd.s32 s3, s2  }
0x8d: {  	s2 =	sadd.s32 s2, s17  }
0x8e: {  	[smem:$0x3FC6] =	sst s2  }
0x8f: {  	_ = 	snop  }
0x90: {  	s2 =	sld [smem:$0x3FC8]  }
0x91: {  	s18 =	sld [smem:$0x3FD0];
	(tm) =	ssettm $0x1  }
0x92: {  	s4 =	sld [smem:$0x3FFB];
	_ =	sdelay $0x3  }
0x93: {  	_ =	strace s4  }
0x94: {  	s4 =	sld [smem:$0x3FFC];
	_ =	sdelay $0x3  }
0x95: {  	_ =	strace s4  }
0x96: {  	s4 =	sld [smem:$0x3FFD];
	_ =	sdelay $0x3  }
0x97: {  	_ =	strace s4  }
0x98: {  	_ =	strace $0x8FFFFFFF  }
0x99: {  	s19 =	sld [smem:$0x3FDB];
	_ =	sdelay $0x1  }
0x9a: {  	s5 =	simm.s32 $_scs_section_size  }
0x9b: {  	s6 =	simm.s32 $_size__tile_overlayer_lowered;
	s7 =	simm.s32 $_tile_overlayer_lowered  }
0x9c: {  	s22 =	simm.s32 $0x1BFF;
	s21 =	sshll.u32 s7, $0x1;
	s4 =	sadd.s32 s5, s19  }
0x9d: {  	s8 =	simm.s32 $0x0;
	s20 =	sshll.u32 s6, $0x1;
	s6 =	sadd.s32 s21, s4  }
0x9e: {  	[timem:s8], [sflag:s22] =	dma.local [hbm:s6], s20  }
0x9f: {  	_ =	swait.ge [sflag:s22], s20  }
0xa0: {  	s5 =	ssub.s32 $0x0, s20;
	[sflag:s22] =	ssyncset.done $0x0  }
0xa1: {  	[sflag:s22] =	ssyncadd.s32 s5;
	_ =	sdelay $0x1  }
0xa2: {  	s23 =	simm.s32 $0x1B8B  }
0xa3: {  	_ =	swait.ge [sflag:s23], $0x1  }
0xa4: {  	[sflag:s23] =	ssyncset.done $0x0  }
0xa5: {  	s25 =	simm.s32 $0x1B8E;
	s24 =	sld [smem:$0x3FFE];
	[sflag:s23] =	ssyncadd.s32 $0xFFFFFFFF  }
0xa6: {  	s26 =	simm.s32 $execute0_lowered;
	[smem:$0x3FD2] =	sst s25  }
0xa7: {  	s6 =	sshll.u32 s26, $0x1;
	_ =	strace $0x80000046;
	[dreg:$0x1] =	wrdreg $0xFFFFFFFF  }
0xa8: {  	s28 =	simm.s32 $_size_execute0_lowered;
	s4 =	sadd.s32 s4, s6;
	[dreg:$0x0] =	wrdreg $0x0  }
0xa9: {  	s6 =	sshll.u32 s28, $0x1;
	[dreg:$0x2] =	wrdreg s4  }
0xaa: {  	[dreg:$0x3] =	wrdreg s6  }
0xab: {  	[dreg:$0x4] =	wrdreg $0xC0  }
0xac: {  	_ =	task [dreg:s8], $0x5FFFF  }
0xad: {  	[dreg:$0x1] =	wrdreg $0xFFFFFFFF  }
0xae: {  	[dreg:$0x0] =	wrdreg $0x60  }
0xaf: {  	[dreg:$0x2] =	wrdreg s24  }
0xb0: {  	[dreg:$0x3] =	wrdreg s2  }
0xb1: {  	[dreg:$0x4] =	wrdreg s18  }
0xb2: {  	[dreg:$0x5] =	wrdreg $0x0  }
0xb3: {  	[dreg:$0x6] =	wrdreg $0x9  }
0xb4: {  	_ =	task.clear_ibuf [dreg:s8], $0x7FFFF;
	_ =	strace $0x90000046  }
0xb5: {  	s29 =	simm.s32 $0x9;
	_ =	strace $0x80000048  }
0xb6: {  	_ =	swait.ge [sflag:s29], $0x1  }
0xb7: {  	[sflag:s29] =	ssyncadd.s32 $0xFFFFFFFF  }
0xb8: {  	_ =	strace $0x90000048  }
0xb9: {  	_ =	sfence  }
0xba: {  	s30 =	sld [smem:$0x0];
	_ =	sdelay $0x2  }
0xbb: {  	s31 =	sshll.u32 s1, $0xD;
	s1 =	sshrl.u32 s1, $0x2  }
0xbc: {  	s3 =	sand.u32 $0x4000, s31;
	s1 =	sadd.s32 s1, s30  }
0xbd: {  	s0 =	sor.u32 s3, s0;
	s1 =	sshll.u32 s1, $0x11  }
0xbe: {  	s0 =	sor.u32 s1, s0  }
0xbf: {  	s0 =	sadd.s32 $0x8F2B, s0  }
0xc0: {  	[sflag:s0] =	ssyncadd.remote.s32 $0x1  }
0xc1: {  	_ =	sfence.sel $0xFFFF  }
0xc2: {  	[dreg:$0x0] =	wrdreg $0xFFFFFFFF;
	(pc) =	sbr.abs _section_cstart, $3  }
0xc3: {  	[dreg:$0x1] =	wrdreg $0xFFFFFFFF  }
0xc4: {  	_ =	task.clear_ibuf [dreg:s8], $0x2FFFF;
	_ =	strace $0x9FFFFFFF  }
0xc5: {  	(tm) =	ssettm $0x7FFFFFFF  }
tec
execute0_lowered:
.L_overlay_start_1:
0x0: {  	(tag) =	ssettag $0x1  }
0x1: {  	s1 =	rddreg [dreg:$0x0]  }
0x2: {  	s4 =	rddreg [dreg:$0x1];
	s12 =	stileid.u32  }
0x3: {  	s0 =	rddreg [dreg:$0x2];
	s25 =	smul.u32 $0x4E000, s12  }
0x4: {  	s3 =	srdreg.scid;
	s30 =	smul.u32 $0xC800, s12  }
0x5: {  	s2 =	rddreg [dreg:$0x3];
	s29 =	simm.s32 $0x1DE40;
	s11 =	smul.u32 $0x2700, s12  }
0x6: {  	s31 =	simm.s32 $0x80;
	s5 =	sand.u32 $0x1, s3;
	s19 =	smul.u32 $0x640000, s12  }
0x7: {  	s6 =	sshll.u32 s12, $0x1;
	s3 =	simm.s32 $0x0;
	s22 =	smul.u32 $0xC8000, s12  }
0x8: {  	s1 =	sadd.s32 $0x400, s1;
	s13 =	sadd.s32 $0x13800, s4;
	s14 =	smul.u32 $0x6400, s5  }
0x9: {  	p0 =	sgt.u32 s12, $0x7;
	s6 =	sor.u32 s5, s6;
	s20 =	smul.u32 $0x320000, s5  }
0xa: {  	[smem:$0x7FF] =	sst s3;
	s7 =	ssub.s32 $0x2, s5;
	s5 =	smul.u32 $0x64000, s5  }
0xb: {  	p1 =	sne.s32 @p0 s12, $0x8;
	s6 =	smul.u32 $0x6400, s6;
	_ =	strace $0x80000047  }
0xc: {  	s8 =	sshrl.u32 s7, $0x1;
	[dreg:$0xa] =	wrdreg s13;
	s4 =	sadd.s32 s4, s11  }
0xd: {  	p1 =	por p1, !p0;
	s11 =	simm.s32 $0x2;
	s7 =	ssub.s32 s7, s8  }
0xe: {  	s8 =	sadd.s32 s14, s30;
	[dreg:$0xb] =	wrdreg s4;
	s23 =	sadd.s32 s20, s19  }
0xf: {  	s19 =	simm.s32 $0x4;
	s20 =	simm.s32 $0x9;
	s6 =	sshrl.u32 s6, $0x3  }
0x10: {  	s15 =	sadd.s32 $0x480, s8;
	s7 =	smax.u32 s7, $0x1;
	s17 =	sor.u32 $0x380, s8  }
0x11: {  	s18 =	sor.u32 $0x300, s8;
	s24 =	sor.u32 $0x10000, s23;
	s30 =	sor.u32 $0x8000, s23  }
0x12: {  	s9 =	sadd.s32 s1, s6;
	s6 =	sshrl.u32 s25, $0x2;
	[dreg:$0xc] =	wrdreg s7  }
0x13: {  	s4 =	sshrl.u32 s15, $0x3;
	s7 =	sshrl.u32 s18, $0x3;
	s25 =	sor.u32 $0xC000, s23  }
0x14: {  	s18 =	simm.s32 $0x3;
	s26 =	sadd.s32 $0x10, s9;
	[dreg:$0x5] =	wrdreg s9  }
0x15: {  	s28 =	sadd.s32 $0x20, s9;
	s10 =	sadd.s32 $0x30, s9;
	[dreg:$0x6] =	wrdreg s26  }
0x16: {  	s9 =	sadd.s32 $0x40, s9;
	s6 =	sadd.s32 s6, s2;
	[dreg:$0x7] =	wrdreg s28  }
0x17: {  	s4 =	sadd.s32 s4, s1;
	s15 =	sadd.s32 s7, s1;
	[dreg:$0x8] =	wrdreg s10  }
0x18: {  	s7 =	sshrl.u32 s24, $0x3;
	[dreg:$0x9] =	wrdreg s9;
	s10 =	sadd.s32 $0x9C000, s2  }
0x19: {  	s9 =	sadd.s32 $0x400, s8;
	[dreg:$0xd] =	wrdreg s4;
	s4 =	sshrl.u32 s17, $0x3  }
0x1a: {  	s8 =	sor.u32 $0x280, s8;
	s26 =	sadd.s32 s7, s0;
	s7 =	simm.s32 $0x11C40  }
0x1b: {  	s17 =	simm.s32 $0x19C40;
	s16 =	sshrl.u32 s9, $0x3;
	s14 =	sadd.s32 s4, s1  }
0x1c: {  	s21 =	sshrl.u32 s8, $0x3;
	s8 =	sshrl.u32 s25, $0x3;
	[dreg:$0xf] =	wrdreg s26  }
0x1d: {  	s4 =	sor.u32 $0x4000, s23;
	s9 =	simm.s32 $0xE;
	s23 =	simm.s32 $0x8  }
0x1e: {  	s13 =	sadd.s32 s16, s1;
	s16 =	sadd.s32 s21, s1;
	s1 =	sadd.s32 s22, s0  }
0x1f: {  	s28 =	sadd.s32 s8, s0;
	s4 =	sshrl.u32 s4, $0x3;
	s1 =	sadd.s32 s5, s1  }
0x20: {  	s8 =	simm.s32 $0x1;
	[dreg:$0xe] =	wrdreg s1;
	s1 =	sshrl.u32 s30, $0x3  }
.Ltmp0:
0x21: {  	[dreg:$0x10] =	wrdreg s28;
	s1 =	sadd.s32 s1, s0;
	(pc) =	sbr.rel .LBB2_1-.Ltmp0, $4  }
0x22: {  	s22 =	simm.s32 $0x5;
	s0 =	sadd.s32 s4, s0;
	[dreg:$0x11] =	wrdreg s1  }
0x23: {  	s5 =	simm.s32 $0x0;
	[dreg:$0x12] =	wrdreg s0;
	s0 =	sshrl.u32 @!p1 s10, $0x3  }
0x24: {  	s4 =	simm.s32 $0xF;
	[dreg:$0x13] =	wrdreg s0;
	s0 =	sshrl.u32 @!p0 s6, $0x3  }
0x25: {  	s10 =	simm.s32 $0x15C40;
	s6 =	simm.s32 $0xD;
	[dreg:$0x14] =	wrdreg s0  }
.LBB2_7:
0x26: {  	_ =	swait.ge [sflag:s23], $0x4000  }
0x27: {  	[sflag:s23] =	ssyncset.done $0x0  }
0x28: {  	[sflag:s23] =	ssyncadd.s32 $0xFFFFC000  }
0x29: {  	_ =	swait.ge [sflag:s20], $0x4000  }
0x2a: {  	[sflag:s20] =	ssyncset.done $0x0  }
0x2b: {  	s1 =	simm.s32 $0xA;
	[sflag:s20] =	ssyncadd.s32 $0xFFFFC000  }
0x2c: {  	_ =	swait.ge [sflag:s1], $0x4000  }
0x2d: {  	s5 =	rddreg [dreg:$0x15]  }
0x2e: {  	s0 =	rddreg [dreg:$0xc];
	s5 =	sadd.s32 $0x1, s5  }
0x2f: {  	p2 =	sne.s32 s5, s0  }
.Ltmp1:
0x30: {  	_ = 	snop;
	(pc) =	sbr.rel @!p2 .LBB2_8-.Ltmp1, $3  }
0x31: {  	_ =	sdelay $0x1  }
0x32: {  	[sflag:s1] =	ssyncset.done $0x0  }
0x33: {  	[sflag:s1] =	ssyncadd.s32 $0xFFFFC000  }
.LBB2_1:
0x34: {  	[dreg:$0x15] =	wrdreg s5  }
0x35: {  	s0 =	rddreg [dreg:$0x5]  }
0x36: {  	s5 =	simm.s32 $0x1DC40;
	s25 =	rddreg [dreg:$0x6]  }
0x37: {  	[tilespmem:s5], [sflag:$0xB] =	stream.linear.gather [hbm4b:s0+s3], $0x80, $0x38;
	[tilespmem:$0x1DEC0] =	vst v63  }
0x38: {  	s12 =	simm.s32 $0x1DCC0;
	s26 =	rddreg [dreg:$0x7]  }
0x39: {  	[tilespmem:s12], [sflag:$0xC] =	stream.linear.gather [hbm4b:s25+s3], $0x80, $0x38;
	[tilespmem:$0x1DEC0] =	vst v63  }
0x3a: {  	s24 =	simm.s32 $0x1DD40;
	s28 =	rddreg [dreg:$0x8]  }
0x3b: {  	[tilespmem:s24], [sflag:$0xD] =	stream.linear.gather [hbm4b:s26+s3], $0x80, $0x38;
	[tilespmem:$0x1DEC0] =	vst v63  }
0x3c: {  	s1 =	simm.s32 $0x1DDC0;
	s21 =	rddreg [dreg:$0x13]  }
0x3d: {  	[tilespmem:s1], [sflag:$0xE] =	stream.linear.gather [hbm4b:s28+s3], $0x80, $0x38;
	[tilespmem:$0x1DEC0] =	vst v63  }
0x3e: {  	s1 =	rddreg [dreg:$0x9]  }
0x3f: {  	[tilespmem:s29], [sflag:$0xF] =	stream.linear.gather [hbm4b:s1+s3], $0x80, $0x38;
	[tilespmem:$0x1DEC0] =	vst v63  }
0x40: {  	s0 =	simm.s32 @!p1 $0x1E10;
	s1 =	rddreg [dreg:$0xa]  }
0x41: {  	[spmem:s21], [sflag:s0] =	dma.local @!p1 [hbm:s1], $0x80  }
0x42: {  	s0 =	simm.s32 @!p1 $0x10  }
0x43: {  	s1 =	stileid.u32;
	_ =	swait.ge @!p1 [sflag:s0], $0x80  }
0x44: {  	s21 =	sshll.u32 @!p0 s1, $0x6;
	[sflag:s0] =	ssyncset.done @!p1 $0x0;
	s1 =	rddreg [dreg:$0xb]  }
0x45: {  	[sflag:s0] =	ssyncadd.s32 @!p1 $0xFFFFFF80;
	s0 =	sor.u32 @!p0 $0x1C10, s21;
	s21 =	rddreg [dreg:$0x14]  }
0x46: {  	[spmem:s21], [sflag:s0] =	dma.local @!p0 [hbm:s1], $0x2700  }
0x47: {  	s0 =	simm.s32 @!p0 $0x10  }
0x48: {  	_ =	swait.ge @!p0 [sflag:s0], $0x2700  }
0x49: {  	[sflag:s0] =	ssyncset.done @!p0 $0x0  }
0x4a: {  	[sflag:s0] =	ssyncadd.s32 @!p0 $0xFFFFD900  }
0x4b: {  	s21 =	simm.s32 $0xB;
	[bflag:$0x0] =	sbarrier.arrive $0xFFFF  }
0x4c: {  	_ =	swait.ge [sflag:s21], $0x80  }
0x4d: {  	[sflag:s21] =	ssyncset.done $0x0  }
0x4e: {  	s25 =	simm.s32 $0x9C40;
	s26 =	simm.s32 $0xC;
	[sflag:s21] =	ssyncadd.s32 $0xFFFFFF80  }
0x4f: {  	[tilespmem:s25], [sflag:$0x1] =	stream.indirect.gather [spmem:s2], $0x80, s5, s31, $0xb8;
	[tilespmem:$0x1DEC0] =	vst v63  }
0x50: {  	_ =	swait.ge [sflag:s26], $0x80  }
0x51: {  	[sflag:s26] =	ssyncset.done $0x0  }
0x52: {  	s28 =	simm.s32 $0xDC40;
	[sflag:s26] =	ssyncadd.s32 $0xFFFFFF80  }
0x53: {  	[tilespmem:s28], [sflag:$0x2] =	stream.indirect.gather [spmem:s2], $0x80, s12, s31, $0xb8;
	[tilespmem:$0x1DEC0] =	vst v63  }
0x54: {  	_ =	swait.ge [sflag:s6], $0x80  }
0x55: {  	s25 =	rddreg [dreg:$0x12]  }
0x56: {  	s30 =	rddreg [dreg:$0x11]  }
0x57: {  	[sflag:s6] =	ssyncset.done $0x0;
	s0 =	rddreg [dreg:$0x10]  }
0x58: {  	s21 =	rddreg [dreg:$0xf];
	[sflag:s6] =	ssyncadd.s32 $0xFFFFFF80  }
0x59: {  	[tilespmem:s7], [sflag:$0x3] =	stream.indirect.gather [spmem:s2], $0x80, s24, s31, $0xb8;
	[tilespmem:$0x1DEC0] =	vst v63  }
0x5a: {  	s26 =	simm.s32 $0x0;
	s24 =	rddreg [dreg:$0xe]  }
.LBB2_2:
0x5b: {  	p2 =	seq.s32 s26, $0xC30  }
0x5c: {  	p3 =	seq.s32 @!p2 s26, $0x0  }
0x5d: {  	_ =	swait.ge [sflag:s8], $0x4000;
	p3 =	por p2, !p3  }
.Ltmp2:
0x5e: {  	[sflag:s8] =	ssyncset.done $0x0;
	(pc) =	sbr.rel @!p3 .LBB2_3-.Ltmp2, $4  }
0x5f: {  	s1 =	simm.s32 $0x9C40;
	[sflag:s8] =	ssyncadd.s32 $0xFFFFC000  }
0x60: {  	[hbm4b:s24+s3] =	stream.linear.scatter [tilespmem:s1], [sflag:$0x6], $0x4000, $0x38;
	[tilespmem:$0x1DEC0] =	vst v63  }
0x61: {  	s28 =	simm.s32 @!p2 $0x0;
	s5 =	simm.s32 @!p2 $0x1DC40;
	s1 =	sadd.s32 @!p2 s26, s16  }
0x62: {  	[tilespmem:s5], [sflag:$0xB] =	stream.linear.gather @!p2 [hbm4b:s1+s28], $0x80, $0x38;
	[tilespmem:$0x1DEC0] =	vst v63  }
.Ltmp3:
0x63: {  	(pc) =	sbr.rel .LBB2_5-.Ltmp3, $4  }
0x64: {  	_ = 	snop  }
0x65: {  	_ =	swait.ge [sflag:s20], $0x4000  }
0x66: {  	[sflag:s20] =	ssyncset.done $0x0  }
0x67: {  	p3 =	por $0x0, $0x0;
	[sflag:s20] =	ssyncadd.s32 $0xFFFFC000  }
.LBB2_3:
0x68: {  	p3 =	por @!p2 $0x1, $0x1  }
.LBB2_5:
0x69: {  	_ =	swait.ge [sflag:s9], $0x80  }
0x6a: {  	[sflag:s9] =	ssyncset.done $0x0  }
0x6b: {  	s1 =	simm.s32 $0x1DDC0;
	[sflag:s9] =	ssyncadd.s32 $0xFFFFFF80  }
0x6c: {  	[tilespmem:s10], [sflag:$0x4] =	stream.indirect.gather [spmem:s2], $0x80, s1, s31, $0xb8;
	[tilespmem:$0x1DEC0] =	vst v63  }
0x6d: {  	_ =	swait.ge [sflag:s11], $0x4000  }
0x6e: {  	[sflag:s11] =	ssyncset.done $0x0  }
0x6f: {  	s12 =	simm.s32 $0xDC40;
	[sflag:s11] =	ssyncadd.s32 $0xFFFFC000  }
0x70: {  	[hbm4b:s25+s3] =	stream.linear.scatter [tilespmem:s12], [sflag:$0x7], $0x4000, $0x38;
	[tilespmem:$0x1DEC0] =	vst v63  }
0x71: {  	s5 =	simm.s32 @!p2 $0x1DCC0;
	s1 =	sadd.s32 @!p2 s26, s15  }
0x72: {  	[tilespmem:s5], [sflag:$0xC] =	stream.linear.gather @!p2 [hbm4b:s1+s28], $0x80, $0x38;
	[tilespmem:$0x1DEC0] =	vst v63  }
0x73: {  	s1 =	simm.s32 @!p3 $0xA  }
0x74: {  	_ =	swait.ge @!p3 [sflag:s1], $0x4000  }
0x75: {  	[sflag:s1] =	ssyncset.done @!p3 $0x0  }
0x76: {  	[sflag:s1] =	ssyncadd.s32 @!p3 $0xFFFFC000  }
0x77: {  	_ =	swait.ge [sflag:s4], $0x80  }
0x78: {  	[sflag:s4] =	ssyncset.done $0x0  }
0x79: {  	[sflag:s4] =	ssyncadd.s32 $0xFFFFFF80  }
0x7a: {  	[tilespmem:s17], [sflag:$0x5] =	stream.indirect.gather [spmem:s2], $0x80, s29, s31, $0xb8;
	[tilespmem:$0x1DEC0] =	vst v63  }
0x7b: {  	_ =	swait.ge [sflag:s18], $0x4000  }
0x7c: {  	[sflag:s18] =	ssyncset.done $0x0  }
0x7d: {  	p3 =	sne.s32 s26, $0xC30;
	[sflag:s18] =	ssyncadd.s32 $0xFFFFC000  }
0x7e: {  	[hbm4b:s30+s3] =	stream.linear.scatter [tilespmem:s7], [sflag:$0x8], $0x4000, $0x38;
	[tilespmem:$0x1DEC0] =	vst v63  }
0x7f: {  	s1 =	sadd.s32 @p3 s26, s14;
	s5 =	simm.s32 @p3 $0x0;
	s28 =	simm.s32 @p3 $0x1DD40  }
0x80: {  	[tilespmem:s28], [sflag:$0xD] =	stream.linear.gather @p3 [hbm4b:s1+s5], $0x80, $0x38;
	[tilespmem:$0x1DEC0] =	vst v63  }
0x81: {  	s1 =	simm.s32 @p3 $0x6  }
0x82: {  	_ =	swait.ge @p3 [sflag:s1], $0x4000  }
0x83: {  	[sflag:s1] =	ssyncset.done @p3 $0x0  }
0x84: {  	[sflag:s1] =	ssyncadd.s32 @p3 $0xFFFFC000;
	s1 =	simm.s32 @p3 $0xB  }
0x85: {  	_ =	swait.ge @p3 [sflag:s1], $0x80  }
0x86: {  	s12 =	simm.s32 @p3 $0x9C40;
	[sflag:s1] =	ssyncset.done @p3 $0x0  }
0x87: {  	s28 =	simm.s32 @p3 $0x1DC40;
	[sflag:s1] =	ssyncadd.s32 @p3 $0xFFFFFF80;
	s1 =	simm.s32 @p3 $0x80  }
0x88: {  	[tilespmem:s12], [sflag:$0x1] =	stream.indirect.gather @p3 [spmem:s2], $0x80, s28, s1, $0xb8;
	[tilespmem:$0x1DEC0] =	vst v63  }
0x89: {  	s12 =	simm.s32 @!p3 $0x6  }
0x8a: {  	_ =	swait.ge @!p3 [sflag:s12], $0x4000  }
0x8b: {  	[sflag:s12] =	ssyncset.done @!p3 $0x0  }
0x8c: {  	[sflag:s12] =	ssyncadd.s32 @!p3 $0xFFFFC000  }
0x8d: {  	_ =	swait.ge [sflag:s19], $0x4000  }
0x8e: {  	[sflag:s19] =	ssyncset.done $0x0  }
0x8f: {  	[sflag:s19] =	ssyncadd.s32 $0xFFFFC000  }
0x90: {  	[hbm4b:s0+s3] =	stream.linear.scatter [tilespmem:s10], [sflag:$0x9], $0x4000, $0x38;
	[tilespmem:$0x1DEC0] =	vst v63  }
0x91: {  	s28 =	simm.s32 @p3 $0x1DDC0;
	s12 =	sadd.s32 @p3 s26, s13  }
0x92: {  	[tilespmem:s28], [sflag:$0xE] =	stream.linear.gather @p3 [hbm4b:s12+s5], $0x80, $0x38;
	[tilespmem:$0x1DEC0] =	vst v63  }
0x93: {  	s5 =	simm.s32 @p3 $0x7  }
0x94: {  	_ =	swait.ge @p3 [sflag:s5], $0x4000  }
0x95: {  	[sflag:s5] =	ssyncset.done @p3 $0x0  }
0x96: {  	[sflag:s5] =	ssyncadd.s32 @p3 $0xFFFFC000;
	s5 =	simm.s32 @p3 $0xC  }
0x97: {  	_ =	swait.ge @p3 [sflag:s5], $0x80  }
0x98: {  	[sflag:s5] =	ssyncset.done @p3 $0x0  }
0x99: {  	s12 =	simm.s32 @p3 $0xDC40;
	[sflag:s5] =	ssyncadd.s32 @p3 $0xFFFFFF80;
	s5 =	simm.s32 @p3 $0x1DCC0  }
0x9a: {  	[tilespmem:s12], [sflag:$0x2] =	stream.indirect.gather @p3 [spmem:s2], $0x80, s5, s1, $0xb8;
	[tilespmem:$0x1DEC0] =	vst v63  }
0x9b: {  	s1 =	simm.s32 @!p3 $0x7  }
0x9c: {  	_ =	swait.ge @!p3 [sflag:s1], $0x4000  }
0x9d: {  	[sflag:s1] =	ssyncset.done @!p3 $0x0  }
.Ltmp4:
0x9e: {  	[sflag:s1] =	ssyncadd.s32 @!p3 $0xFFFFC000;
	(pc) =	sbr.rel @p2 .LBB2_7-.Ltmp4, $4  }
0x9f: {  	_ =	swait.ge [sflag:s22], $0x4000  }
0xa0: {  	[sflag:s22] =	ssyncset.done $0x0  }
0xa1: {  	[sflag:s22] =	ssyncadd.s32 $0xFFFFC000  }
0xa2: {  	[hbm4b:s21+s3] =	stream.linear.scatter [tilespmem:s17], [sflag:$0xA], $0x4000, $0x38;
	[tilespmem:$0x1DEC0] =	vst v63  }
0xa3: {  	s1 =	rddreg [dreg:$0xd]  }
0xa4: {  	s1 =	sadd.s32 s26, s1  }
0xa5: {  	[tilespmem:s29], [sflag:$0xF] =	stream.linear.gather [hbm4b:s1+s3], $0x80, $0x38;
	[tilespmem:$0x1DEC0] =	vst v63  }
0xa6: {  	_ =	swait.ge [sflag:s23], $0x4000  }
0xa7: {  	[sflag:s23] =	ssyncset.done $0x0  }
.Ltmp5:
0xa8: {  	s28 =	simm.s32 $0x1DD40;
	[sflag:s23] =	ssyncadd.s32 $0xFFFFC000;
	(pc) =	sbr.rel .LBB2_2-.Ltmp5, $4  }
0xa9: {  	s24 =	sadd.s32 $0x2800, s24;
	s21 =	sadd.s32 $0x2800, s21;
	_ =	swait.ge [sflag:s6], $0x80  }
0xaa: {  	s0 =	sadd.s32 $0x2800, s0;
	s30 =	sadd.s32 $0x2800, s30;
	[sflag:s6] =	ssyncset.done $0x0  }
0xab: {  	s25 =	sadd.s32 $0x2800, s25;
	s26 =	sadd.s32 $0x50, s26;
	[sflag:s6] =	ssyncadd.s32 $0xFFFFFF80  }
0xac: {  	[tilespmem:s7], [sflag:$0x3] =	stream.indirect.gather [spmem:s2], $0x80, s28, s31, $0xb8;
	[tilespmem:$0x1DEC0] =	vst v63  }
.LBB2_8:
0xad: {  	_ =	sfence.sel $0x180000  }
0xae: {  	[bflag:$0x0] =	sbarrier.arrive $0xFFFF  }
0xaf: {  	_ =	strace $0x90000047  }
0xb0: {  	s0 =	stileid.u32;
	[bflag:$0x2] =	sbarrier.arrive $0xFFFF  }
0xb1: {  	p0 =	sne.s32 s0, $0x0;
	s0 =	rddreg [dreg:$0x4]  }
0xb2: {  	s0 =	sadd.s32 @!p0 $0x100000, s0  }
0xb3: {  	[sflag:s0] =	ssyncadd.tile.s32 @!p0 $0x1;
	_ =	shalt  }
.Lfunc_end2:
_tile_overlayer_lowered:
.L_overlay_start_2:
0xb4: {  	(tag) =	ssettag $0x2  }
0xb5: {  	s0 =	rddreg [dreg:$0x0];
	s2 =	stileid.u32  }
0xb6: {  	s1 =	rddreg [dreg:$0x1];
	p0 =	sne.s32 s2, $0x0  }
0xb7: {  	s3 =	rddreg [dreg:$0x2];
	[bflag:$0x3] =	sbarrier.arrive $0xFFFF;
	s2 =	simm.s32 @!p0 $0x1C10  }
0xb8: {  	[timem:s3], [sflag:s2] =	dma.local @!p0 [hbm:s0], s1  }
0xb9: {  	s0 =	simm.s32 @!p0 $0x10  }
0xba: {  	_ =	swait.ge @!p0 [sflag:s0], s1  }
0xbb: {  	s1 =	ssub.s32 @!p0 $0x0, s1;
	[sflag:s0] =	ssyncset.done @!p0 $0x0  }
0xbc: {  	[sflag:s0] =	ssyncadd.s32 @!p0 s1  }
0xbd: {  	[bflag:$0x3] =	sbarrier.arrive $0xFFFF  }
0xbe: {  	_ =	shalt  }

</sc_bundles>
